<compile_context>
chip_gen: v7x
topology: tpu7x:2x2x1
jax: 0.10.2.dev20260603
libtpu: 0.0.44.dev20260713+nightly
codegen_flags: <defaults>
</compile_context>

<pallas_src>
import functools

import jax
import jax.numpy as jnp
from jax import lax
from jax.experimental import pallas as pl
from jax.experimental.pallas import tpu as pltpu
from jax.experimental.pallas import tpu_sc as plsc

N = 16384
M = 2048
NT = 512
NUM_TILES = N // NT
NUM_ITER = 4
BASE_ALPHA = 0.1

NUM_WORKERS = 32
CHUNK = 2 * N // NUM_WORKERS
GRP = 16


def _nn_body(refined_ref, pb2_ref, b2_ref, idx_ref, md_ref, mx_ref):
    pb2 = pb2_ref[0]
    b2 = b2_ref[0]

    def tile(t, acc):
        s = pl.ds(t * NT, NT)
        rall = refined_ref[0, :, s]
        rx = rall[0:1]
        ry = rall[1:2]
        rz = rall[2:3]
        a2 = rx * rx + ry * ry + rz * rz
        dot2 = lax.dot_general(pb2, rall.astype(jnp.bfloat16),
                               (((1,), (0,)), ((), ())),
                               preferred_element_type=jnp.float32)
        d2 = jnp.maximum((a2 + b2) - dot2, 1e-12)
        m = jnp.min(d2, axis=0)
        idx = jnp.argmin(d2, axis=0)
        md_ref[0, 0, s] = jnp.sqrt(m)
        idx_ref[0, 0, s] = idx
        return jnp.maximum(acc, jnp.max(m))

    maxd2 = lax.fori_loop(0, NUM_TILES, tile, jnp.float32(-jnp.inf))
    mx_ref[0, 0, :] = jnp.full((128,), jnp.sqrt(maxd2), jnp.float32)


def _nn_search(refined_t, pb2, b2):
    B = refined_t.shape[0]
    return pl.pallas_call(
        _nn_body,
        grid=(B,),
        in_specs=[
            pl.BlockSpec((1, 3, N), lambda b: (b, 0, 0)),
            pl.BlockSpec((1, M, 3), lambda b: (b, 0, 0)),
            pl.BlockSpec((1, M, 1), lambda b: (b, 0, 0)),
        ],
        out_specs=[
            pl.BlockSpec((1, 1, N), lambda b: (b, 0, 0)),
            pl.BlockSpec((1, 1, N), lambda b: (b, 0, 0)),
            pl.BlockSpec((1, 1, 128), lambda b: (b, 0, 0)),
        ],
        out_shape=[
            jax.ShapeDtypeStruct((B, 1, N), jnp.int32),
            jax.ShapeDtypeStruct((B, 1, N), jnp.float32),
            jax.ShapeDtypeStruct((B, 1, 128), jnp.float32),
        ],
    )(refined_t, pb2, b2)


def _sc_update_body(refined_hbm, partial_hbm, idx_hbm, md_hbm, mx_hbm,
                    out_hbm, ptab, rxv, ryv, rzv, idxv, mdv, mxv, sem):
    wid = lax.axis_index("s") * 2 + lax.axis_index("c")
    b = wid // (NUM_WORKERS // 2)
    qbase = wid * CHUNK
    rbase = b * 3 * N + (wid % (NUM_WORKERS // 2)) * CHUNK

    copies = [
        pltpu.async_copy(partial_hbm.at[pl.ds(b * 3 * M, 3 * M)], ptab, sem),
        pltpu.async_copy(refined_hbm.at[pl.ds(rbase, CHUNK)], rxv, sem),
        pltpu.async_copy(refined_hbm.at[pl.ds(rbase + N, CHUNK)], ryv, sem),
        pltpu.async_copy(refined_hbm.at[pl.ds(rbase + 2 * N, CHUNK)], rzv, sem),
        pltpu.async_copy(idx_hbm.at[pl.ds(qbase, CHUNK)], idxv, sem),
        pltpu.async_copy(md_hbm.at[pl.ds(qbase, CHUNK)], mdv, sem),
        pltpu.async_copy(mx_hbm.at[pl.ds(b * 128, GRP)], mxv, sem),
    ]
    for c in copies:
        c.wait()

    denom = mxv[...] + 1e-6

    def step(i, carry):
        s = pl.ds(i * GRP, GRP)
        nn3 = idxv[s] * 3
        nx = plsc.load_gather(ptab, [nn3])
        ny = plsc.load_gather(ptab, [nn3 + 1])
        nz = plsc.load_gather(ptab, [nn3 + 2])
        alpha = BASE_ALPHA * (2.0 - mdv[s] / denom)
        rx, ry, rz = rxv[s], ryv[s], rzv[s]
        rxv[s] = rx + alpha * (nx - rx)
        ryv[s] = ry + alpha * (ny - ry)
        rzv[s] = rz + alpha * (nz - rz)
        return carry

    lax.fori_loop(0, CHUNK // GRP, step, 0)

    stores = [
        pltpu.async_copy(rxv, out_hbm.at[pl.ds(rbase, CHUNK)], sem),
        pltpu.async_copy(ryv, out_hbm.at[pl.ds(rbase + N, CHUNK)], sem),
        pltpu.async_copy(rzv, out_hbm.at[pl.ds(rbase + 2 * N, CHUNK)], sem),
    ]
    for c in stores:
        c.wait()


def _sc_update(refined_t, partial, idx, md, mx):
    B = refined_t.shape[0]
    fn = functools.partial(
        pl.kernel,
        out_type=jax.ShapeDtypeStruct((B * 3 * N,), jnp.float32),
        mesh=plsc.VectorSubcoreMesh(core_axis_name="c", subcore_axis_name="s"),
        compiler_params=pltpu.CompilerParams(needs_layout_passes=False),
        scratch_types=[
            pltpu.VMEM((3 * M,), jnp.float32),
            pltpu.VMEM((CHUNK,), jnp.float32),
            pltpu.VMEM((CHUNK,), jnp.float32),
            pltpu.VMEM((CHUNK,), jnp.float32),
            pltpu.VMEM((CHUNK,), jnp.int32),
            pltpu.VMEM((CHUNK,), jnp.float32),
            pltpu.VMEM((GRP,), jnp.float32),
            pltpu.SemaphoreType.DMA,
        ],
    )(_sc_update_body)
    out = fn(refined_t.reshape(-1), partial.reshape(-1), idx.reshape(-1),
             md.reshape(-1), mx.reshape(-1))
    return out.reshape(B, 3, N)


@jax.jit
def kernel(pred, partial):
    B = pred.shape[0]
    refined = jnp.swapaxes(pred, 1, 2)
    pb2 = (2.0 * partial).astype(jnp.bfloat16)
    b2 = jnp.sum(partial * partial, axis=-1, keepdims=True)
    for _ in range(NUM_ITER):
        idx, md, mx = _nn_search(refined, pb2, b2)
        refined = _sc_update(refined, partial, idx, md, mx)
    return jnp.swapaxes(refined, 1, 2)

# --- scband reference (transcript-rebuilt; emitter-appended) ---
"""Pipeline reference for scband-ipgr-43714177138865 (READ-ONLY COPY).

The authoritative reference and input builder live on the scoring server;
editing this copy changes nothing except your own understanding.
"""

import jax, jax.numpy as jnp
import numpy as np


def _cdist(a, b):
    # euclidean distance matrix, same math as torch.cdist(p=2)
    a2 = jnp.sum(a * a, axis=-1, keepdims=True)          # [B, N, 1]
    b2 = jnp.sum(b * b, axis=-1, keepdims=True)          # [B, M, 1]
    d2 = a2 + jnp.swapaxes(b2, -1, -2) - 2.0 * jnp.einsum('bnd,bmd->bnm', a, b)
    return jnp.sqrt(jnp.maximum(d2, 1e-12))


def setup_inputs(seed: int = 0) -> dict:
    key = jax.random.key(seed)
    k1, k2 = jax.random.split(key)
    pred = jax.random.normal(k1, (2, 16384, 3), dtype=jnp.float32)
    partial = jax.random.normal(k2, (2, 2048, 3), dtype=jnp.float32)
    return {"pred": pred, "partial": partial}


def reference(pred, partial):
    base_alpha = 0.1
    num_iter = 4
    refined = pred
    for _ in range(num_iter):
        dist = _cdist(refined, partial)                  # [B, N, M]
        min_idx = jnp.argmin(dist, axis=-1)              # [B, N] (int)
        min_dist = jnp.min(dist, axis=-1)                # [B, N]
        nearest = jnp.take_along_axis(partial, min_idx[..., None], axis=1)  # [B, N, 3]
        dist_norm = min_dist / (jnp.max(min_dist, axis=-1, keepdims=True) + 1e-06)
        alpha = base_alpha * (2.0 - dist_norm)           # [B, N]
        refined = refined + alpha[..., None] * (nearest - refined)
    return refined

if __name__ == "__main__":
    import jax
    _d = setup_inputs()
    print(jax.jit(kernel)(*tuple(_d.values())))

</pallas_src>

<mosaic_0001>
#map = affine_map<(d0, d1) -> (0)>
module attributes {stable_mosaic.version = 14 : i64} {
  func.func @_sc_update_body(%arg0: i32, %arg1: i32, %arg2: memref<98304xf32, #tpu.memory_space<hbm>>, %arg3: memref<12288xf32, #tpu.memory_space<hbm>>, %arg4: memref<32768xi32, #tpu.memory_space<hbm>>, %arg5: memref<32768xf32, #tpu.memory_space<hbm>>, %arg6: memref<256xf32, #tpu.memory_space<hbm>>, %arg7: memref<98304xf32, #tpu.memory_space<hbm>>, %arg8: memref<6144xf32, #tpu.memory_space<vmem>>, %arg9: memref<1024xf32, #tpu.memory_space<vmem>>, %arg10: memref<1024xf32, #tpu.memory_space<vmem>>, %arg11: memref<1024xf32, #tpu.memory_space<vmem>>, %arg12: memref<1024xi32, #tpu.memory_space<vmem>>, %arg13: memref<1024xf32, #tpu.memory_space<vmem>>, %arg14: memref<16xf32, #tpu.memory_space<vmem>>, %arg15: memref<!tpu.dma_semaphore, #tpu.memory_space<semaphore_mem>>) attributes {dimension_semantics = [#tpu.dimension_semantics<core_parallel>, #tpu.dimension_semantics<subcore_parallel>], iteration_bounds = array<i64: 2, 16>, scalar_prefetch = 0 : i64, scratch_operands = 8 : i64, tpu.core_type = #tpu.core_type<sc_vector_subcore>, window_params = [{transform_indices = #map}, {transform_indices = #map}, {transform_indices = #map}, {transform_indices = #map}, {transform_indices = #map}, {transform_indices = #map}]} {
    %mul3A = arith.constant 2 : i32
    %mul3A_0 = arith.muli %arg1, %mul3A : i32
    %add3A = arith.addi %mul3A_0, %arg0 : i32
    %jit3A = arith.constant 16 : i32
    %div3A = arith.divsi %add3A, %jit3A : i32
    %sign3A = arith.constant 0 : i32
    %sign3A_1 = arith.cmpi sgt, %add3A, %sign3A : i32
    %sign3A_2 = arith.extui %sign3A_1 : i1 to i32
    %sign3A_3 = arith.constant 0 : i32
    %sign3A_4 = arith.cmpi slt, %add3A, %sign3A_3 : i32
    %sign3A_5 = arith.extui %sign3A_4 : i1 to i32
    %sign3A_6 = arith.subi %sign3A_2, %sign3A_5 : i32
    %sign3A_7 = arith.constant 0 : i32
    %sign3A_8 = arith.cmpi sgt, %jit3A, %sign3A_7 : i32
    %sign3A_9 = arith.extui %sign3A_8 : i1 to i32
    %sign3A_10 = arith.constant 0 : i32
    %sign3A_11 = arith.cmpi slt, %jit3A, %sign3A_10 : i32
    %sign3A_12 = arith.extui %sign3A_11 : i1 to i32
    %sign3A_13 = arith.subi %sign3A_9, %sign3A_12 : i32
    %ne3A = arith.cmpi ne, %sign3A_6, %sign3A_13 : i32
    %rem3A = arith.remsi %add3A, %jit3A : i32
    %ne3A_14 = arith.constant 0 : i32
    %ne3A_15 = arith.cmpi ne, %rem3A, %ne3A_14 : i32
    %and3A = arith.andi %ne3A, %ne3A_15 : i1
    %sub3A = arith.constant 1 : i32
    %sub3A_16 = arith.subi %div3A, %sub3A : i32
    %select_n3A = arith.select %and3A, %sub3A_16, %div3A : i32
    %mul3A_17 = arith.constant 1024 : i32
    %mul3A_18 = arith.muli %add3A, %mul3A_17 : i32
    %mul3A_19 = arith.constant 3 : i32
    %mul3A_20 = arith.muli %select_n3A, %mul3A_19 : i32
    %mul3A_21 = arith.constant 16384 : i32
    %mul3A_22 = arith.muli %mul3A_20, %mul3A_21 : i32
    %jit3A_23 = arith.constant 16 : i32
    %eq3A = arith.constant 0 : i32
    %eq3A_24 = arith.cmpi eq, %jit3A_23, %eq3A : i32
    %jit3A_25 = arith.constant 1 : i32
    %select_n3A_26 = arith.select %eq3A_24, %jit3A_25, %jit3A_23 : i32
    %rem3A_27 = arith.remsi %add3A, %select_n3A_26 : i32
    %ne3A_28 = arith.constant 0 : i32
    %ne3A_29 = arith.cmpi ne, %rem3A_27, %ne3A_28 : i32
    %lt3A = arith.constant 0 : i32
    %lt3A_30 = arith.cmpi slt, %rem3A_27, %lt3A : i32
    %lt3A_31 = arith.constant 0 : i32
    %lt3A_32 = arith.cmpi slt, %select_n3A_26, %lt3A_31 : i32
    %ne3A_33 = arith.xori %lt3A_30, %lt3A_32 : i1
    %and3A_34 = arith.andi %ne3A_33, %ne3A_29 : i1
    %add3A_35 = arith.addi %rem3A_27, %select_n3A_26 : i32
    %select_n3A_36 = arith.select %and3A_34, %add3A_35, %rem3A_27 : i32
    %mul3A_37 = arith.constant 1024 : i32
    %mul3A_38 = arith.muli %select_n3A_36, %mul3A_37 : i32
    %add3A_39 = arith.addi %mul3A_22, %mul3A_38 : i32
    %mul3A_40 = arith.constant 3 : i32
    %mul3A_41 = arith.muli %select_n3A, %mul3A_40 : i32
    %mul3A_42 = arith.constant 2048 : i32
    %mul3A_43 = arith.muli %mul3A_41, %mul3A_42 : i32
    %dma_start3A = tpu.memref_slice %arg3[%mul3A_43] : memref<12288xf32, #tpu.memory_space<hbm>> -> memref<6144xf32, #tpu.memory_space<hbm>>
    %dma_start3A_44 = tpu.memref_slice %arg3[%mul3A_43] : memref<12288xf32, #tpu.memory_space<hbm>> -> memref<6144xf32, #tpu.memory_space<hbm>>
    tpu.enqueue_dma source(%dma_start3A_44 : memref<6144xf32, #tpu.memory_space<hbm>>) target(%arg8 : memref<6144xf32, #tpu.memory_space<vmem>>) target_semaphore(%arg15 : memref<!tpu.dma_semaphore, #tpu.memory_space<semaphore_mem>>)
    %dma_start3A_45 = tpu.memref_slice %arg2[%add3A_39] : memref<98304xf32, #tpu.memory_space<hbm>> -> memref<1024xf32, #tpu.memory_space<hbm>>
    %dma_start3A_46 = tpu.memref_slice %arg2[%add3A_39] : memref<98304xf32, #tpu.memory_space<hbm>> -> memref<1024xf32, #tpu.memory_space<hbm>>
    tpu.enqueue_dma source(%dma_start3A_46 : memref<1024xf32, #tpu.memory_space<hbm>>) target(%arg9 : memref<1024xf32, #tpu.memory_space<vmem>>) target_semaphore(%arg15 : memref<!tpu.dma_semaphore, #tpu.memory_space<semaphore_mem>>)
    %add3A_47 = arith.constant 16384 : i32
    %add3A_48 = arith.addi %add3A_39, %add3A_47 : i32
    %dma_start3A_49 = tpu.memref_slice %arg2[%add3A_48] : memref<98304xf32, #tpu.memory_space<hbm>> -> memref<1024xf32, #tpu.memory_space<hbm>>
    %dma_start3A_50 = tpu.memref_slice %arg2[%add3A_48] : memref<98304xf32, #tpu.memory_space<hbm>> -> memref<1024xf32, #tpu.memory_space<hbm>>
    tpu.enqueue_dma source(%dma_start3A_50 : memref<1024xf32, #tpu.memory_space<hbm>>) target(%arg10 : memref<1024xf32, #tpu.memory_space<vmem>>) target_semaphore(%arg15 : memref<!tpu.dma_semaphore, #tpu.memory_space<semaphore_mem>>)
    %add3A_51 = arith.constant 32768 : i32
    %add3A_52 = arith.addi %add3A_39, %add3A_51 : i32
    %dma_start3A_53 = tpu.memref_slice %arg2[%add3A_52] : memref<98304xf32, #tpu.memory_space<hbm>> -> memref<1024xf32, #tpu.memory_space<hbm>>
    %dma_start3A_54 = tpu.memref_slice %arg2[%add3A_52] : memref<98304xf32, #tpu.memory_space<hbm>> -> memref<1024xf32, #tpu.memory_space<hbm>>
    tpu.enqueue_dma source(%dma_start3A_54 : memref<1024xf32, #tpu.memory_space<hbm>>) target(%arg11 : memref<1024xf32, #tpu.memory_space<vmem>>) target_semaphore(%arg15 : memref<!tpu.dma_semaphore, #tpu.memory_space<semaphore_mem>>)
    %dma_start3A_55 = tpu.memref_slice %arg4[%mul3A_18] : memref<32768xi32, #tpu.memory_space<hbm>> -> memref<1024xi32, #tpu.memory_space<hbm>>
    %dma_start3A_56 = tpu.memref_slice %arg4[%mul3A_18] : memref<32768xi32, #tpu.memory_space<hbm>> -> memref<1024xi32, #tpu.memory_space<hbm>>
    tpu.enqueue_dma source(%dma_start3A_56 : memref<1024xi32, #tpu.memory_space<hbm>>) target(%arg12 : memref<1024xi32, #tpu.memory_space<vmem>>) target_semaphore(%arg15 : memref<!tpu.dma_semaphore, #tpu.memory_space<semaphore_mem>>)
    %dma_start3A_57 = tpu.memref_slice %arg5[%mul3A_18] : memref<32768xf32, #tpu.memory_space<hbm>> -> memref<1024xf32, #tpu.memory_space<hbm>>
    %dma_start3A_58 = tpu.memref_slice %arg5[%mul3A_18] : memref<32768xf32, #tpu.memory_space<hbm>> -> memref<1024xf32, #tpu.memory_space<hbm>>
    tpu.enqueue_dma source(%dma_start3A_58 : memref<1024xf32, #tpu.memory_space<hbm>>) target(%arg13 : memref<1024xf32, #tpu.memory_space<vmem>>) target_semaphore(%arg15 : memref<!tpu.dma_semaphore, #tpu.memory_space<semaphore_mem>>)
    %mul3A_59 = arith.constant 128 : i32
    %mul3A_60 = arith.muli %select_n3A, %mul3A_59 : i32
    %dma_start3A_61 = tpu.memref_slice %arg6[%mul3A_60] : memref<256xf32, #tpu.memory_space<hbm>> -> memref<16xf32, #tpu.memory_space<hbm>>
    %dma_start3A_62 = tpu.memref_slice %arg6[%mul3A_60] : memref<256xf32, #tpu.memory_space<hbm>> -> memref<16xf32, #tpu.memory_space<hbm>>
    tpu.enqueue_dma source(%dma_start3A_62 : memref<16xf32, #tpu.memory_space<hbm>>) target(%arg14 : memref<16xf32, #tpu.memory_space<vmem>>) target_semaphore(%arg15 : memref<!tpu.dma_semaphore, #tpu.memory_space<semaphore_mem>>)
    %dma_wait3A = tpu.memref_slice %arg3[%mul3A_43] : memref<12288xf32, #tpu.memory_space<hbm>> -> memref<6144xf32, #tpu.memory_space<hbm>>
    %dma_wait3A_63 = tpu.memref_slice %arg3[%mul3A_43] : memref<12288xf32, #tpu.memory_space<hbm>> -> memref<6144xf32, #tpu.memory_space<hbm>>
    tpu.wait_dma2 semaphore(%arg15 : memref<!tpu.dma_semaphore, #tpu.memory_space<semaphore_mem>>) src(%dma_wait3A_63 : memref<6144xf32, #tpu.memory_space<hbm>>) dst(%arg8 : memref<6144xf32, #tpu.memory_space<vmem>>)
    %dma_wait3A_64 = tpu.memref_slice %arg2[%add3A_39] : memref<98304xf32, #tpu.memory_space<hbm>> -> memref<1024xf32, #tpu.memory_space<hbm>>
    %dma_wait3A_65 = tpu.memref_slice %arg2[%add3A_39] : memref<98304xf32, #tpu.memory_space<hbm>> -> memref<1024xf32, #tpu.memory_space<hbm>>
    tpu.wait_dma2 semaphore(%arg15 : memref<!tpu.dma_semaphore, #tpu.memory_space<semaphore_mem>>) src(%dma_wait3A_65 : memref<1024xf32, #tpu.memory_space<hbm>>) dst(%arg9 : memref<1024xf32, #tpu.memory_space<vmem>>)
    %dma_wait3A_66 = tpu.memref_slice %arg2[%add3A_48] : memref<98304xf32, #tpu.memory_space<hbm>> -> memref<1024xf32, #tpu.memory_space<hbm>>
    %dma_wait3A_67 = tpu.memref_slice %arg2[%add3A_48] : memref<98304xf32, #tpu.memory_space<hbm>> -> memref<1024xf32, #tpu.memory_space<hbm>>
    tpu.wait_dma2 semaphore(%arg15 : memref<!tpu.dma_semaphore, #tpu.memory_space<semaphore_mem>>) src(%dma_wait3A_67 : memref<1024xf32, #tpu.memory_space<hbm>>) dst(%arg10 : memref<1024xf32, #tpu.memory_space<vmem>>)
    %dma_wait3A_68 = tpu.memref_slice %arg2[%add3A_52] : memref<98304xf32, #tpu.memory_space<hbm>> -> memref<1024xf32, #tpu.memory_space<hbm>>
    %dma_wait3A_69 = tpu.memref_slice %arg2[%add3A_52] : memref<98304xf32, #tpu.memory_space<hbm>> -> memref<1024xf32, #tpu.memory_space<hbm>>
    tpu.wait_dma2 semaphore(%arg15 : memref<!tpu.dma_semaphore, #tpu.memory_space<semaphore_mem>>) src(%dma_wait3A_69 : memref<1024xf32, #tpu.memory_space<hbm>>) dst(%arg11 : memref<1024xf32, #tpu.memory_space<vmem>>)
    %dma_wait3A_70 = tpu.memref_slice %arg4[%mul3A_18] : memref<32768xi32, #tpu.memory_space<hbm>> -> memref<1024xi32, #tpu.memory_space<hbm>>
    %dma_wait3A_71 = tpu.memref_slice %arg4[%mul3A_18] : memref<32768xi32, #tpu.memory_space<hbm>> -> memref<1024xi32, #tpu.memory_space<hbm>>
    tpu.wait_dma2 semaphore(%arg15 : memref<!tpu.dma_semaphore, #tpu.memory_space<semaphore_mem>>) src(%dma_wait3A_71 : memref<1024xi32, #tpu.memory_space<hbm>>) dst(%arg12 : memref<1024xi32, #tpu.memory_space<vmem>>)
    %dma_wait3A_72 = tpu.memref_slice %arg5[%mul3A_18] : memref<32768xf32, #tpu.memory_space<hbm>> -> memref<1024xf32, #tpu.memory_space<hbm>>
    %dma_wait3A_73 = tpu.memref_slice %arg5[%mul3A_18] : memref<32768xf32, #tpu.memory_space<hbm>> -> memref<1024xf32, #tpu.memory_space<hbm>>
    tpu.wait_dma2 semaphore(%arg15 : memref<!tpu.dma_semaphore, #tpu.memory_space<semaphore_mem>>) src(%dma_wait3A_73 : memref<1024xf32, #tpu.memory_space<hbm>>) dst(%arg13 : memref<1024xf32, #tpu.memory_space<vmem>>)
    %dma_wait3A_74 = tpu.memref_slice %arg6[%mul3A_60] : memref<256xf32, #tpu.memory_space<hbm>> -> memref<16xf32, #tpu.memory_space<hbm>>
    %dma_wait3A_75 = tpu.memref_slice %arg6[%mul3A_60] : memref<256xf32, #tpu.memory_space<hbm>> -> memref<16xf32, #tpu.memory_space<hbm>>
    tpu.wait_dma2 semaphore(%arg15 : memref<!tpu.dma_semaphore, #tpu.memory_space<semaphore_mem>>) src(%dma_wait3A_75 : memref<16xf32, #tpu.memory_space<hbm>>) dst(%arg14 : memref<16xf32, #tpu.memory_space<vmem>>)
    %get3A = arith.constant 0 : index
    %get3A_76 = tpu.vector_load %arg14[%get3A] {strides = array<i32>} : memref<16xf32, #tpu.memory_space<vmem>>, vector<16xf32>,
    %add3A_77 = arith.constant 9.99999997E-7 : f32
    %add3A_78 = vector.broadcast %add3A_77 : f32 to vector<16xf32>
    %add3A_79 = arith.addf %get3A_76, %add3A_78 : vector<16xf32>
    %scan3A = arith.constant 0 : i32
    %scan3A_80 = arith.constant 0 : i32
    %scan3A_81 = arith.constant 64 : i32
    %scan3A_82 = arith.addi %scan3A_80, %scan3A_81 : i32
    %scan3A_83 = arith.constant 1 : i32
    scf.for %scan3A_101 = %scan3A_80 to %scan3A_82 step %scan3A_83  : i32 {
      %mul3A_102 = arith.constant 16 : i32
      %mul3A_103 = arith.muli %scan3A_101, %mul3A_102 : i32
      %get3A_104 = arith.index_cast %mul3A_103 : i32 to index
      %get3A_105 = tpu.vector_load %arg12[%get3A_104] {strides = array<i32>} : memref<1024xi32, #tpu.memory_space<vmem>>, vector<16xi32>,
      %mul3A_106 = arith.constant 3 : i32
      %mul3A_107 = vector.broadcast %mul3A_106 : i32 to vector<16xi32>
      %mul3A_108 = arith.muli %get3A_105, %mul3A_107 : vector<16xi32>
      %gather3A = tpu.vector_load_idx %arg8[%mul3A_108] : memref<6144xf32, #tpu.memory_space<vmem>>[vector<16xi32>], vector<16xf32>,
      %add3A_109 = arith.constant 1 : i32
      %add3A_110 = vector.broadcast %add3A_109 : i32 to vector<16xi32>
      %add3A_111 = arith.addi %mul3A_108, %add3A_110 : vector<16xi32>
      %gather3A_112 = tpu.vector_load_idx %arg8[%add3A_111] : memref<6144xf32, #tpu.memory_space<vmem>>[vector<16xi32>], vector<16xf32>,
      %add3A_113 = arith.constant 2 : i32
      %add3A_114 = vector.broadcast %add3A_113 : i32 to vector<16xi32>
      %add3A_115 = arith.addi %mul3A_108, %add3A_114 : vector<16xi32>
      %gather3A_116 = tpu.vector_load_idx %arg8[%add3A_115] : memref<6144xf32, #tpu.memory_space<vmem>>[vector<16xi32>], vector<16xf32>,
      %get3A_117 = arith.index_cast %mul3A_103 : i32 to index
      %get3A_118 = tpu.vector_load %arg13[%get3A_117] {strides = array<i32>} : memref<1024xf32, #tpu.memory_space<vmem>>, vector<16xf32>,
      %div3A_119 = arith.divf %get3A_118, %add3A_79 : vector<16xf32>
      %sub3A_120 = arith.constant 2.000000e+00 : f32
      %sub3A_121 = vector.broadcast %sub3A_120 : f32 to vector<16xf32>
      %sub3A_122 = arith.subf %sub3A_121, %div3A_119 : vector<16xf32>
      %mul3A_123 = arith.constant 1.000000e-01 : f32
      %mul3A_124 = vector.broadcast %mul3A_123 : f32 to vector<16xf32>
      %mul3A_125 = arith.mulf %mul3A_124, %sub3A_122 : vector<16xf32>
      %get3A_126 = arith.index_cast %mul3A_103 : i32 to index
      %get3A_127 = tpu.vector_load %arg9[%get3A_126] {strides = array<i32>} : memref<1024xf32, #tpu.memory_space<vmem>>, vector<16xf32>,
      %get3A_128 = arith.index_cast %mul3A_103 : i32 to index
      %get3A_129 = tpu.vector_load %arg10[%get3A_128] {strides = array<i32>} : memref<1024xf32, #tpu.memory_space<vmem>>, vector<16xf32>,
      %get3A_130 = arith.index_cast %mul3A_103 : i32 to index
      %get3A_131 = tpu.vector_load %arg11[%get3A_130] {strides = array<i32>} : memref<1024xf32, #tpu.memory_space<vmem>>, vector<16xf32>,
      %sub3A_132 = arith.subf %gather3A, %get3A_127 : vector<16xf32>
      %mul3A_133 = arith.mulf %mul3A_125, %sub3A_132 : vector<16xf32>
      %add3A_134 = arith.addf %get3A_127, %mul3A_133 : vector<16xf32>
      %swap3A = arith.index_cast %mul3A_103 : i32 to index
      %swap3A_135 = tpu.vector_load %arg9[%swap3A] {strides = array<i32>} : memref<1024xf32, #tpu.memory_space<vmem>>, vector<16xf32>,
      tpu.vector_store %arg9[%swap3A], %add3A_134 {strides = array<i32>} : memref<1024xf32, #tpu.memory_space<vmem>>, vector<16xf32>,
      %sub3A_136 = arith.subf %gather3A_112, %get3A_129 : vector<16xf32>
      %mul3A_137 = arith.mulf %mul3A_125, %sub3A_136 : vector<16xf32>
      %add3A_138 = arith.addf %get3A_129, %mul3A_137 : vector<16xf32>
      %swap3A_139 = arith.index_cast %mul3A_103 : i32 to index
      %swap3A_140 = tpu.vector_load %arg10[%swap3A_139] {strides = array<i32>} : memref<1024xf32, #tpu.memory_space<vmem>>, vector<16xf32>,
      tpu.vector_store %arg10[%swap3A_139], %add3A_138 {strides = array<i32>} : memref<1024xf32, #tpu.memory_space<vmem>>, vector<16xf32>,
      %sub3A_141 = arith.subf %gather3A_116, %get3A_131 : vector<16xf32>
      %mul3A_142 = arith.mulf %mul3A_125, %sub3A_141 : vector<16xf32>
      %add3A_143 = arith.addf %get3A_131, %mul3A_142 : vector<16xf32>
      %swap3A_144 = arith.index_cast %mul3A_103 : i32 to index
      %swap3A_145 = tpu.vector_load %arg11[%swap3A_144] {strides = array<i32>} : memref<1024xf32, #tpu.memory_space<vmem>>, vector<16xf32>,
      tpu.vector_store %arg11[%swap3A_144], %add3A_143 {strides = array<i32>} : memref<1024xf32, #tpu.memory_space<vmem>>, vector<16xf32>,
    }
    %scan3A_84 = arith.constant 64 : i32
    %dma_start3A_85 = tpu.memref_slice %arg7[%add3A_39] : memref<98304xf32, #tpu.memory_space<hbm>> -> memref<1024xf32, #tpu.memory_space<hbm>>
    %dma_start3A_86 = tpu.memref_slice %arg7[%add3A_39] : memref<98304xf32, #tpu.memory_space<hbm>> -> memref<1024xf32, #tpu.memory_space<hbm>>
    tpu.enqueue_dma source(%arg9 : memref<1024xf32, #tpu.memory_space<vmem>>) target(%dma_start3A_86 : memref<1024xf32, #tpu.memory_space<hbm>>) target_semaphore(%arg15 : memref<!tpu.dma_semaphore, #tpu.memory_space<semaphore_mem>>)
    %add3A_87 = arith.constant 16384 : i32
    %add3A_88 = arith.addi %add3A_39, %add3A_87 : i32
    %dma_start3A_89 = tpu.memref_slice %arg7[%add3A_88] : memref<98304xf32, #tpu.memory_space<hbm>> -> memref<1024xf32, #tpu.memory_space<hbm>>
    %dma_start3A_90 = tpu.memref_slice %arg7[%add3A_88] : memref<98304xf32, #tpu.memory_space<hbm>> -> memref<1024xf32, #tpu.memory_space<hbm>>
    tpu.enqueue_dma source(%arg10 : memref<1024xf32, #tpu.memory_space<vmem>>) target(%dma_start3A_90 : memref<1024xf32, #tpu.memory_space<hbm>>) target_semaphore(%arg15 : memref<!tpu.dma_semaphore, #tpu.memory_space<semaphore_mem>>)
    %add3A_91 = arith.constant 32768 : i32
    %add3A_92 = arith.addi %add3A_39, %add3A_91 : i32
    %dma_start3A_93 = tpu.memref_slice %arg7[%add3A_92] : memref<98304xf32, #tpu.memory_space<hbm>> -> memref<1024xf32, #tpu.memory_space<hbm>>
    %dma_start3A_94 = tpu.memref_slice %arg7[%add3A_92] : memref<98304xf32, #tpu.memory_space<hbm>> -> memref<1024xf32, #tpu.memory_space<hbm>>
    tpu.enqueue_dma source(%arg11 : memref<1024xf32, #tpu.memory_space<vmem>>) target(%dma_start3A_94 : memref<1024xf32, #tpu.memory_space<hbm>>) target_semaphore(%arg15 : memref<!tpu.dma_semaphore, #tpu.memory_space<semaphore_mem>>)
    %dma_wait3A_95 = tpu.memref_slice %arg7[%add3A_39] : memref<98304xf32, #tpu.memory_space<hbm>> -> memref<1024xf32, #tpu.memory_space<hbm>>
    %dma_wait3A_96 = tpu.memref_slice %arg7[%add3A_39] : memref<98304xf32, #tpu.memory_space<hbm>> -> memref<1024xf32, #tpu.memory_space<hbm>>
    tpu.wait_dma2 semaphore(%arg15 : memref<!tpu.dma_semaphore, #tpu.memory_space<semaphore_mem>>) src(%arg9 : memref<1024xf32, #tpu.memory_space<vmem>>) dst(%dma_wait3A_96 : memref<1024xf32, #tpu.memory_space<hbm>>)
    %dma_wait3A_97 = tpu.memref_slice %arg7[%add3A_88] : memref<98304xf32, #tpu.memory_space<hbm>> -> memref<1024xf32, #tpu.memory_space<hbm>>
    %dma_wait3A_98 = tpu.memref_slice %arg7[%add3A_88] : memref<98304xf32, #tpu.memory_space<hbm>> -> memref<1024xf32, #tpu.memory_space<hbm>>
    tpu.wait_dma2 semaphore(%arg15 : memref<!tpu.dma_semaphore, #tpu.memory_space<semaphore_mem>>) src(%arg10 : memref<1024xf32, #tpu.memory_space<vmem>>) dst(%dma_wait3A_98 : memref<1024xf32, #tpu.memory_space<hbm>>)
    %dma_wait3A_99 = tpu.memref_slice %arg7[%add3A_92] : memref<98304xf32, #tpu.memory_space<hbm>> -> memref<1024xf32, #tpu.memory_space<hbm>>
    %dma_wait3A_100 = tpu.memref_slice %arg7[%add3A_92] : memref<98304xf32, #tpu.memory_space<hbm>> -> memref<1024xf32, #tpu.memory_space<hbm>>
    tpu.wait_dma2 semaphore(%arg15 : memref<!tpu.dma_semaphore, #tpu.memory_space<semaphore_mem>>) src(%arg11 : memref<1024xf32, #tpu.memory_space<vmem>>) dst(%dma_wait3A_100 : memref<1024xf32, #tpu.memory_space<hbm>>)
    return
  }
}

#map = affine_map<(d0, d1) -> (0)>
module attributes {stable_mosaic.version = 14 : i64} {
  func.func @_sc_update_body(%arg0: i32, %arg1: i32, %arg2: memref<98304xf32, #tpu.memory_space<hbm>>, %arg3: memref<12288xf32, #tpu.memory_space<hbm>>, %arg4: memref<32768xi32, #tpu.memory_space<hbm>>, %arg5: memref<32768xf32, #tpu.memory_space<hbm>>, %arg6: memref<256xf32, #tpu.memory_space<hbm>>, %arg7: memref<98304xf32, #tpu.memory_space<hbm>>, %arg8: memref<6144xf32, #tpu.memory_space<vmem>>, %arg9: memref<1024xf32, #tpu.memory_space<vmem>>, %arg10: memref<1024xf32, #tpu.memory_space<vmem>>, %arg11: memref<1024xf32, #tpu.memory_space<vmem>>, %arg12: memref<1024xi32, #tpu.memory_space<vmem>>, %arg13: memref<1024xf32, #tpu.memory_space<vmem>>, %arg14: memref<16xf32, #tpu.memory_space<vmem>>, %arg15: memref<!tpu.dma_semaphore, #tpu.memory_space<semaphore_mem>>) attributes {dimension_semantics = [#tpu.dimension_semantics<core_parallel>, #tpu.dimension_semantics<subcore_parallel>], iteration_bounds = array<i64: 2, 16>, scalar_prefetch = 0 : i64, scratch_operands = 8 : i64, tpu.core_type = #tpu.core_type<sc_vector_subcore>, window_params = [{transform_indices = #map}, {transform_indices = #map}, {transform_indices = #map}, {transform_indices = #map}, {transform_indices = #map}, {transform_indices = #map}]} {
    %mul3A = arith.constant 2 : i32
    %mul3A_0 = arith.muli %arg1, %mul3A : i32
    %add3A = arith.addi %mul3A_0, %arg0 : i32
    %jit3A = arith.constant 16 : i32
    %div3A = arith.divsi %add3A, %jit3A : i32
    %sign3A = arith.constant 0 : i32
    %sign3A_1 = arith.cmpi sgt, %add3A, %sign3A : i32
    %sign3A_2 = arith.extui %sign3A_1 : i1 to i32
    %sign3A_3 = arith.constant 0 : i32
    %sign3A_4 = arith.cmpi slt, %add3A, %sign3A_3 : i32
    %sign3A_5 = arith.extui %sign3A_4 : i1 to i32
    %sign3A_6 = arith.subi %sign3A_2, %sign3A_5 : i32
    %sign3A_7 = arith.constant 0 : i32
    %sign3A_8 = arith.cmpi sgt, %jit3A, %sign3A_7 : i32
    %sign3A_9 = arith.extui %sign3A_8 : i1 to i32
    %sign3A_10 = arith.constant 0 : i32
    %sign3A_11 = arith.cmpi slt, %jit3A, %sign3A_10 : i32
    %sign3A_12 = arith.extui %sign3A_11 : i1 to i32
    %sign3A_13 = arith.subi %sign3A_9, %sign3A_12 : i32
    %ne3A = arith.cmpi ne, %sign3A_6, %sign3A_13 : i32
    %rem3A = arith.remsi %add3A, %jit3A : i32
    %ne3A_14 = arith.constant 0 : i32
    %ne3A_15 = arith.cmpi ne, %rem3A, %ne3A_14 : i32
    %and3A = arith.andi %ne3A, %ne3A_15 : i1
    %sub3A = arith.constant 1 : i32
    %sub3A_16 = arith.subi %div3A, %sub3A : i32
    %select_n3A = arith.select %and3A, %sub3A_16, %div3A : i32
    %mul3A_17 = arith.constant 1024 : i32
    %mul3A_18 = arith.muli %add3A, %mul3A_17 : i32
    %mul3A_19 = arith.constant 3 : i32
    %mul3A_20 = arith.muli %select_n3A, %mul3A_19 : i32
    %mul3A_21 = arith.constant 16384 : i32
    %mul3A_22 = arith.muli %mul3A_20, %mul3A_21 : i32
    %jit3A_23 = arith.constant 16 : i32
    %eq3A = arith.constant 0 : i32
    %eq3A_24 = arith.cmpi eq, %jit3A_23, %eq3A : i32
    %jit3A_25 = arith.constant 1 : i32
    %select_n3A_26 = arith.select %eq3A_24, %jit3A_25, %jit3A_23 : i32
    %rem3A_27 = arith.remsi %add3A, %select_n3A_26 : i32
    %ne3A_28 = arith.constant 0 : i32
    %ne3A_29 = arith.cmpi ne, %rem3A_27, %ne3A_28 : i32
    %lt3A = arith.constant 0 : i32
    %lt3A_30 = arith.cmpi slt, %rem3A_27, %lt3A : i32
    %lt3A_31 = arith.constant 0 : i32
    %lt3A_32 = arith.cmpi slt, %select_n3A_26, %lt3A_31 : i32
    %ne3A_33 = arith.xori %lt3A_30, %lt3A_32 : i1
    %and3A_34 = arith.andi %ne3A_33, %ne3A_29 : i1
    %add3A_35 = arith.addi %rem3A_27, %select_n3A_26 : i32
    %select_n3A_36 = arith.select %and3A_34, %add3A_35, %rem3A_27 : i32
    %mul3A_37 = arith.constant 1024 : i32
    %mul3A_38 = arith.muli %select_n3A_36, %mul3A_37 : i32
    %add3A_39 = arith.addi %mul3A_22, %mul3A_38 : i32
    %mul3A_40 = arith.constant 3 : i32
    %mul3A_41 = arith.muli %select_n3A, %mul3A_40 : i32
    %mul3A_42 = arith.constant 2048 : i32
    %mul3A_43 = arith.muli %mul3A_41, %mul3A_42 : i32
    %dma_start3A = tpu.memref_slice %arg3[%mul3A_43] : memref<12288xf32, #tpu.memory_space<hbm>> -> memref<6144xf32, #tpu.memory_space<hbm>>
    %dma_start3A_44 = tpu.memref_slice %arg3[%mul3A_43] : memref<12288xf32, #tpu.memory_space<hbm>> -> memref<6144xf32, #tpu.memory_space<hbm>>
    tpu.enqueue_dma source(%dma_start3A_44 : memref<6144xf32, #tpu.memory_space<hbm>>) target(%arg8 : memref<6144xf32, #tpu.memory_space<vmem>>) target_semaphore(%arg15 : memref<!tpu.dma_semaphore, #tpu.memory_space<semaphore_mem>>)
    %dma_start3A_45 = tpu.memref_slice %arg2[%add3A_39] : memref<98304xf32, #tpu.memory_space<hbm>> -> memref<1024xf32, #tpu.memory_space<hbm>>
    %dma_start3A_46 = tpu.memref_slice %arg2[%add3A_39] : memref<98304xf32, #tpu.memory_space<hbm>> -> memref<1024xf32, #tpu.memory_space<hbm>>
    tpu.enqueue_dma source(%dma_start3A_46 : memref<1024xf32, #tpu.memory_space<hbm>>) target(%arg9 : memref<1024xf32, #tpu.memory_space<vmem>>) target_semaphore(%arg15 : memref<!tpu.dma_semaphore, #tpu.memory_space<semaphore_mem>>)
    %add3A_47 = arith.constant 16384 : i32
    %add3A_48 = arith.addi %add3A_39, %add3A_47 : i32
    %dma_start3A_49 = tpu.memref_slice %arg2[%add3A_48] : memref<98304xf32, #tpu.memory_space<hbm>> -> memref<1024xf32, #tpu.memory_space<hbm>>
    %dma_start3A_50 = tpu.memref_slice %arg2[%add3A_48] : memref<98304xf32, #tpu.memory_space<hbm>> -> memref<1024xf32, #tpu.memory_space<hbm>>
    tpu.enqueue_dma source(%dma_start3A_50 : memref<1024xf32, #tpu.memory_space<hbm>>) target(%arg10 : memref<1024xf32, #tpu.memory_space<vmem>>) target_semaphore(%arg15 : memref<!tpu.dma_semaphore, #tpu.memory_space<semaphore_mem>>)
    %add3A_51 = arith.constant 32768 : i32
    %add3A_52 = arith.addi %add3A_39, %add3A_51 : i32
    %dma_start3A_53 = tpu.memref_slice %arg2[%add3A_52] : memref<98304xf32, #tpu.memory_space<hbm>> -> memref<1024xf32, #tpu.memory_space<hbm>>
    %dma_start3A_54 = tpu.memref_slice %arg2[%add3A_52] : memref<98304xf32, #tpu.memory_space<hbm>> -> memref<1024xf32, #tpu.memory_space<hbm>>
    tpu.enqueue_dma source(%dma_start3A_54 : memref<1024xf32, #tpu.memory_space<hbm>>) target(%arg11 : memref<1024xf32, #tpu.memory_space<vmem>>) target_semaphore(%arg15 : memref<!tpu.dma_semaphore, #tpu.memory_space<semaphore_mem>>)
    %dma_start3A_55 = tpu.memref_slice %arg4[%mul3A_18] : memref<32768xi32, #tpu.memory_space<hbm>> -> memref<1024xi32, #tpu.memory_space<hbm>>
    %dma_start3A_56 = tpu.memref_slice %arg4[%mul3A_18] : memref<32768xi32, #tpu.memory_space<hbm>> -> memref<1024xi32, #tpu.memory_space<hbm>>
    tpu.enqueue_dma source(%dma_start3A_56 : memref<1024xi32, #tpu.memory_space<hbm>>) target(%arg12 : memref<1024xi32, #tpu.memory_space<vmem>>) target_semaphore(%arg15 : memref<!tpu.dma_semaphore, #tpu.memory_space<semaphore_mem>>)
    %dma_start3A_57 = tpu.memref_slice %arg5[%mul3A_18] : memref<32768xf32, #tpu.memory_space<hbm>> -> memref<1024xf32, #tpu.memory_space<hbm>>
    %dma_start3A_58 = tpu.memref_slice %arg5[%mul3A_18] : memref<32768xf32, #tpu.memory_space<hbm>> -> memref<1024xf32, #tpu.memory_space<hbm>>
    tpu.enqueue_dma source(%dma_start3A_58 : memref<1024xf32, #tpu.memory_space<hbm>>) target(%arg13 : memref<1024xf32, #tpu.memory_space<vmem>>) target_semaphore(%arg15 : memref<!tpu.dma_semaphore, #tpu.memory_space<semaphore_mem>>)
    %mul3A_59 = arith.constant 128 : i32
    %mul3A_60 = arith.muli %select_n3A, %mul3A_59 : i32
    %dma_start3A_61 = tpu.memref_slice %arg6[%mul3A_60] : memref<256xf32, #tpu.memory_space<hbm>> -> memref<16xf32, #tpu.memory_space<hbm>>
    %dma_start3A_62 = tpu.memref_slice %arg6[%mul3A_60] : memref<256xf32, #tpu.memory_space<hbm>> -> memref<16xf32, #tpu.memory_space<hbm>>
    tpu.enqueue_dma source(%dma_start3A_62 : memref<16xf32, #tpu.memory_space<hbm>>) target(%arg14 : memref<16xf32, #tpu.memory_space<vmem>>) target_semaphore(%arg15 : memref<!tpu.dma_semaphore, #tpu.memory_space<semaphore_mem>>)
    %dma_wait3A = tpu.memref_slice %arg3[%mul3A_43] : memref<12288xf32, #tpu.memory_space<hbm>> -> memref<6144xf32, #tpu.memory_space<hbm>>
    %dma_wait3A_63 = tpu.memref_slice %arg3[%mul3A_43] : memref<12288xf32, #tpu.memory_space<hbm>> -> memref<6144xf32, #tpu.memory_space<hbm>>
    tpu.wait_dma2 semaphore(%arg15 : memref<!tpu.dma_semaphore, #tpu.memory_space<semaphore_mem>>) src(%dma_wait3A_63 : memref<6144xf32, #tpu.memory_space<hbm>>) dst(%arg8 : memref<6144xf32, #tpu.memory_space<vmem>>)
    %dma_wait3A_64 = tpu.memref_slice %arg2[%add3A_39] : memref<98304xf32, #tpu.memory_space<hbm>> -> memref<1024xf32, #tpu.memory_space<hbm>>
    %dma_wait3A_65 = tpu.memref_slice %arg2[%add3A_39] : memref<98304xf32, #tpu.memory_space<hbm>> -> memref<1024xf32, #tpu.memory_space<hbm>>
    tpu.wait_dma2 semaphore(%arg15 : memref<!tpu.dma_semaphore, #tpu.memory_space<semaphore_mem>>) src(%dma_wait3A_65 : memref<1024xf32, #tpu.memory_space<hbm>>) dst(%arg9 : memref<1024xf32, #tpu.memory_space<vmem>>)
    %dma_wait3A_66 = tpu.memref_slice %arg2[%add3A_48] : memref<98304xf32, #tpu.memory_space<hbm>> -> memref<1024xf32, #tpu.memory_space<hbm>>
    %dma_wait3A_67 = tpu.memref_slice %arg2[%add3A_48] : memref<98304xf32, #tpu.memory_space<hbm>> -> memref<1024xf32, #tpu.memory_space<hbm>>
    tpu.wait_dma2 semaphore(%arg15 : memref<!tpu.dma_semaphore, #tpu.memory_space<semaphore_mem>>) src(%dma_wait3A_67 : memref<1024xf32, #tpu.memory_space<hbm>>) dst(%arg10 : memref<1024xf32, #tpu.memory_space<vmem>>)
    %dma_wait3A_68 = tpu.memref_slice %arg2[%add3A_52] : memref<98304xf32, #tpu.memory_space<hbm>> -> memref<1024xf32, #tpu.memory_space<hbm>>
    %dma_wait3A_69 = tpu.memref_slice %arg2[%add3A_52] : memref<98304xf32, #tpu.memory_space<hbm>> -> memref<1024xf32, #tpu.memory_space<hbm>>
    tpu.wait_dma2 semaphore(%arg15 : memref<!tpu.dma_semaphore, #tpu.memory_space<semaphore_mem>>) src(%dma_wait3A_69 : memref<1024xf32, #tpu.memory_space<hbm>>) dst(%arg11 : memref<1024xf32, #tpu.memory_space<vmem>>)
    %dma_wait3A_70 = tpu.memref_slice %arg4[%mul3A_18] : memref<32768xi32, #tpu.memory_space<hbm>> -> memref<1024xi32, #tpu.memory_space<hbm>>
    %dma_wait3A_71 = tpu.memref_slice %arg4[%mul3A_18] : memref<32768xi32, #tpu.memory_space<hbm>> -> memref<1024xi32, #tpu.memory_space<hbm>>
    tpu.wait_dma2 semaphore(%arg15 : memref<!tpu.dma_semaphore, #tpu.memory_space<semaphore_mem>>) src(%dma_wait3A_71 : memref<1024xi32, #tpu.memory_space<hbm>>) dst(%arg12 : memref<1024xi32, #tpu.memory_space<vmem>>)
    %dma_wait3A_72 = tpu.memref_slice %arg5[%mul3A_18] : memref<32768xf32, #tpu.memory_space<hbm>> -> memref<1024xf32, #tpu.memory_space<hbm>>
    %dma_wait3A_73 = tpu.memref_slice %arg5[%mul3A_18] : memref<32768xf32, #tpu.memory_space<hbm>> -> memref<1024xf32, #tpu.memory_space<hbm>>
    tpu.wait_dma2 semaphore(%arg15 : memref<!tpu.dma_semaphore, #tpu.memory_space<semaphore_mem>>) src(%dma_wait3A_73 : memref<1024xf32, #tpu.memory_space<hbm>>) dst(%arg13 : memref<1024xf32, #tpu.memory_space<vmem>>)
    %dma_wait3A_74 = tpu.memref_slice %arg6[%mul3A_60] : memref<256xf32, #tpu.memory_space<hbm>> -> memref<16xf32, #tpu.memory_space<hbm>>
    %dma_wait3A_75 = tpu.memref_slice %arg6[%mul3A_60] : memref<256xf32, #tpu.memory_space<hbm>> -> memref<16xf32, #tpu.memory_space<hbm>>
    tpu.wait_dma2 semaphore(%arg15 : memref<!tpu.dma_semaphore, #tpu.memory_space<semaphore_mem>>) src(%dma_wait3A_75 : memref<16xf32, #tpu.memory_space<hbm>>) dst(%arg14 : memref<16xf32, #tpu.memory_space<vmem>>)
    %get3A = arith.constant 0 : index
    %get3A_76 = tpu.vector_load %arg14[%get3A] {strides = array<i32>} : memref<16xf32, #tpu.memory_space<vmem>>, vector<16xf32>,
    %add3A_77 = arith.constant 9.99999997E-7 : f32
    %add3A_78 = vector.broadcast %add3A_77 : f32 to vector<16xf32>
    %add3A_79 = arith.addf %get3A_76, %add3A_78 : vector<16xf32>
    %scan3A = arith.constant 0 : i32
    %scan3A_80 = arith.constant 0 : i32
    %scan3A_81 = arith.constant 64 : i32
    %scan3A_82 = arith.addi %scan3A_80, %scan3A_81 : i32
    %scan3A_83 = arith.constant 1 : i32
    scf.for %scan3A_101 = %scan3A_80 to %scan3A_82 step %scan3A_83  : i32 {
      %mul3A_102 = arith.constant 16 : i32
      %mul3A_103 = arith.muli %scan3A_101, %mul3A_102 : i32
      %get3A_104 = arith.index_cast %mul3A_103 : i32 to index
      %get3A_105 = tpu.vector_load %arg12[%get3A_104] {strides = array<i32>} : memref<1024xi32, #tpu.memory_space<vmem>>, vector<16xi32>,
      %mul3A_106 = arith.constant 3 : i32
      %mul3A_107 = vector.broadcast %mul3A_106 : i32 to vector<16xi32>
      %mul3A_108 = arith.muli %get3A_105, %mul3A_107 : vector<16xi32>
      %gather3A = tpu.vector_load_idx %arg8[%mul3A_108] : memref<6144xf32, #tpu.memory_space<vmem>>[vector<16xi32>], vector<16xf32>,
      %add3A_109 = arith.constant 1 : i32
      %add3A_110 = vector.broadcast %add3A_109 : i32 to vector<16xi32>
      %add3A_111 = arith.addi %mul3A_108, %add3A_110 : vector<16xi32>
      %gather3A_112 = tpu.vector_load_idx %arg8[%add3A_111] : memref<6144xf32, #tpu.memory_space<vmem>>[vector<16xi32>], vector<16xf32>,
      %add3A_113 = arith.constant 2 : i32
      %add3A_114 = vector.broadcast %add3A_113 : i32 to vector<16xi32>
      %add3A_115 = arith.addi %mul3A_108, %add3A_114 : vector<16xi32>
      %gather3A_116 = tpu.vector_load_idx %arg8[%add3A_115] : memref<6144xf32, #tpu.memory_space<vmem>>[vector<16xi32>], vector<16xf32>,
      %get3A_117 = arith.index_cast %mul3A_103 : i32 to index
      %get3A_118 = tpu.vector_load %arg13[%get3A_117] {strides = array<i32>} : memref<1024xf32, #tpu.memory_space<vmem>>, vector<16xf32>,
      %div3A_119 = arith.divf %get3A_118, %add3A_79 : vector<16xf32>
      %sub3A_120 = arith.constant 2.000000e+00 : f32
      %sub3A_121 = vector.broadcast %sub3A_120 : f32 to vector<16xf32>
      %sub3A_122 = arith.subf %sub3A_121, %div3A_119 : vector<16xf32>
      %mul3A_123 = arith.constant 1.000000e-01 : f32
      %mul3A_124 = vector.broadcast %mul3A_123 : f32 to vector<16xf32>
      %mul3A_125 = arith.mulf %mul3A_124, %sub3A_122 : vector<16xf32>
      %get3A_126 = arith.index_cast %mul3A_103 : i32 to index
      %get3A_127 = tpu.vector_load %arg9[%get3A_126] {strides = array<i32>} : memref<1024xf32, #tpu.memory_space<vmem>>, vector<16xf32>,
      %get3A_128 = arith.index_cast %mul3A_103 : i32 to index
      %get3A_129 = tpu.vector_load %arg10[%get3A_128] {strides = array<i32>} : memref<1024xf32, #tpu.memory_space<vmem>>, vector<16xf32>,
      %get3A_130 = arith.index_cast %mul3A_103 : i32 to index
      %get3A_131 = tpu.vector_load %arg11[%get3A_130] {strides = array<i32>} : memref<1024xf32, #tpu.memory_space<vmem>>, vector<16xf32>,
      %sub3A_132 = arith.subf %gather3A, %get3A_127 : vector<16xf32>
      %mul3A_133 = arith.mulf %mul3A_125, %sub3A_132 : vector<16xf32>
      %add3A_134 = arith.addf %get3A_127, %mul3A_133 : vector<16xf32>
      %swap3A = arith.index_cast %mul3A_103 : i32 to index
      %swap3A_135 = tpu.vector_load %arg9[%swap3A] {strides = array<i32>} : memref<1024xf32, #tpu.memory_space<vmem>>, vector<16xf32>,
      tpu.vector_store %arg9[%swap3A], %add3A_134 {strides = array<i32>} : memref<1024xf32, #tpu.memory_space<vmem>>, vector<16xf32>,
      %sub3A_136 = arith.subf %gather3A_112, %get3A_129 : vector<16xf32>
      %mul3A_137 = arith.mulf %mul3A_125, %sub3A_136 : vector<16xf32>
      %add3A_138 = arith.addf %get3A_129, %mul3A_137 : vector<16xf32>
      %swap3A_139 = arith.index_cast %mul3A_103 : i32 to index
      %swap3A_140 = tpu.vector_load %arg10[%swap3A_139] {strides = array<i32>} : memref<1024xf32, #tpu.memory_space<vmem>>, vector<16xf32>,
      tpu.vector_store %arg10[%swap3A_139], %add3A_138 {strides = array<i32>} : memref<1024xf32, #tpu.memory_space<vmem>>, vector<16xf32>,
      %sub3A_141 = arith.subf %gather3A_116, %get3A_131 : vector<16xf32>
      %mul3A_142 = arith.mulf %mul3A_125, %sub3A_141 : vector<16xf32>
      %add3A_143 = arith.addf %get3A_131, %mul3A_142 : vector<16xf32>
      %swap3A_144 = arith.index_cast %mul3A_103 : i32 to index
      %swap3A_145 = tpu.vector_load %arg11[%swap3A_144] {strides = array<i32>} : memref<1024xf32, #tpu.memory_space<vmem>>, vector<16xf32>,
      tpu.vector_store %arg11[%swap3A_144], %add3A_143 {strides = array<i32>} : memref<1024xf32, #tpu.memory_space<vmem>>, vector<16xf32>,
    }
    %scan3A_84 = arith.constant 64 : i32
    %dma_start3A_85 = tpu.memref_slice %arg7[%add3A_39] : memref<98304xf32, #tpu.memory_space<hbm>> -> memref<1024xf32, #tpu.memory_space<hbm>>
    %dma_start3A_86 = tpu.memref_slice %arg7[%add3A_39] : memref<98304xf32, #tpu.memory_space<hbm>> -> memref<1024xf32, #tpu.memory_space<hbm>>
    tpu.enqueue_dma source(%arg9 : memref<1024xf32, #tpu.memory_space<vmem>>) target(%dma_start3A_86 : memref<1024xf32, #tpu.memory_space<hbm>>) target_semaphore(%arg15 : memref<!tpu.dma_semaphore, #tpu.memory_space<semaphore_mem>>)
    %add3A_87 = arith.constant 16384 : i32
    %add3A_88 = arith.addi %add3A_39, %add3A_87 : i32
    %dma_start3A_89 = tpu.memref_slice %arg7[%add3A_88] : memref<98304xf32, #tpu.memory_space<hbm>> -> memref<1024xf32, #tpu.memory_space<hbm>>
    %dma_start3A_90 = tpu.memref_slice %arg7[%add3A_88] : memref<98304xf32, #tpu.memory_space<hbm>> -> memref<1024xf32, #tpu.memory_space<hbm>>
    tpu.enqueue_dma source(%arg10 : memref<1024xf32, #tpu.memory_space<vmem>>) target(%dma_start3A_90 : memref<1024xf32, #tpu.memory_space<hbm>>) target_semaphore(%arg15 : memref<!tpu.dma_semaphore, #tpu.memory_space<semaphore_mem>>)
    %add3A_91 = arith.constant 32768 : i32
    %add3A_92 = arith.addi %add3A_39, %add3A_91 : i32
    %dma_start3A_93 = tpu.memref_slice %arg7[%add3A_92] : memref<98304xf32, #tpu.memory_space<hbm>> -> memref<1024xf32, #tpu.memory_space<hbm>>
    %dma_start3A_94 = tpu.memref_slice %arg7[%add3A_92] : memref<98304xf32, #tpu.memory_space<hbm>> -> memref<1024xf32, #tpu.memory_space<hbm>>
    tpu.enqueue_dma source(%arg11 : memref<1024xf32, #tpu.memory_space<vmem>>) target(%dma_start3A_94 : memref<1024xf32, #tpu.memory_space<hbm>>) target_semaphore(%arg15 : memref<!tpu.dma_semaphore, #tpu.memory_space<semaphore_mem>>)
    %dma_wait3A_95 = tpu.memref_slice %arg7[%add3A_39] : memref<98304xf32, #tpu.memory_space<hbm>> -> memref<1024xf32, #tpu.memory_space<hbm>>
    %dma_wait3A_96 = tpu.memref_slice %arg7[%add3A_39] : memref<98304xf32, #tpu.memory_space<hbm>> -> memref<1024xf32, #tpu.memory_space<hbm>>
    tpu.wait_dma2 semaphore(%arg15 : memref<!tpu.dma_semaphore, #tpu.memory_space<semaphore_mem>>) src(%arg9 : memref<1024xf32, #tpu.memory_space<vmem>>) dst(%dma_wait3A_96 : memref<1024xf32, #tpu.memory_space<hbm>>)
    %dma_wait3A_97 = tpu.memref_slice %arg7[%add3A_88] : memref<98304xf32, #tpu.memory_space<hbm>> -> memref<1024xf32, #tpu.memory_space<hbm>>
    %dma_wait3A_98 = tpu.memref_slice %arg7[%add3A_88] : memref<98304xf32, #tpu.memory_space<hbm>> -> memref<1024xf32, #tpu.memory_space<hbm>>
    tpu.wait_dma2 semaphore(%arg15 : memref<!tpu.dma_semaphore, #tpu.memory_space<semaphore_mem>>) src(%arg10 : memref<1024xf32, #tpu.memory_space<vmem>>) dst(%dma_wait3A_98 : memref<1024xf32, #tpu.memory_space<hbm>>)
    %dma_wait3A_99 = tpu.memref_slice %arg7[%add3A_92] : memref<98304xf32, #tpu.memory_space<hbm>> -> memref<1024xf32, #tpu.memory_space<hbm>>
    %dma_wait3A_100 = tpu.memref_slice %arg7[%add3A_92] : memref<98304xf32, #tpu.memory_space<hbm>> -> memref<1024xf32, #tpu.memory_space<hbm>>
    tpu.wait_dma2 semaphore(%arg15 : memref<!tpu.dma_semaphore, #tpu.memory_space<semaphore_mem>>) src(%arg11 : memref<1024xf32, #tpu.memory_space<vmem>>) dst(%dma_wait3A_100 : memref<1024xf32, #tpu.memory_space<hbm>>)
    return
  }
}

#map = affine_map<(d0, d1) -> (0)>
module attributes {stable_mosaic.version = 14 : i64} {
  func.func @_sc_update_body(%arg0: i32, %arg1: i32, %arg2: memref<98304xf32, #tpu.memory_space<hbm>>, %arg3: memref<12288xf32, #tpu.memory_space<hbm>>, %arg4: memref<32768xi32, #tpu.memory_space<hbm>>, %arg5: memref<32768xf32, #tpu.memory_space<hbm>>, %arg6: memref<256xf32, #tpu.memory_space<hbm>>, %arg7: memref<98304xf32, #tpu.memory_space<hbm>>, %arg8: memref<6144xf32, #tpu.memory_space<vmem>>, %arg9: memref<1024xf32, #tpu.memory_space<vmem>>, %arg10: memref<1024xf32, #tpu.memory_space<vmem>>, %arg11: memref<1024xf32, #tpu.memory_space<vmem>>, %arg12: memref<1024xi32, #tpu.memory_space<vmem>>, %arg13: memref<1024xf32, #tpu.memory_space<vmem>>, %arg14: memref<16xf32, #tpu.memory_space<vmem>>, %arg15: memref<!tpu.dma_semaphore, #tpu.memory_space<semaphore_mem>>) attributes {dimension_semantics = [#tpu.dimension_semantics<core_parallel>, #tpu.dimension_semantics<subcore_parallel>], iteration_bounds = array<i64: 2, 16>, scalar_prefetch = 0 : i64, scratch_operands = 8 : i64, tpu.core_type = #tpu.core_type<sc_vector_subcore>, window_params = [{transform_indices = #map}, {transform_indices = #map}, {transform_indices = #map}, {transform_indices = #map}, {transform_indices = #map}, {transform_indices = #map}]} {
    %mul3A = arith.constant 2 : i32
    %mul3A_0 = arith.muli %arg1, %mul3A : i32
    %add3A = arith.addi %mul3A_0, %arg0 : i32
    %jit3A = arith.constant 16 : i32
    %div3A = arith.divsi %add3A, %jit3A : i32
    %sign3A = arith.constant 0 : i32
    %sign3A_1 = arith.cmpi sgt, %add3A, %sign3A : i32
    %sign3A_2 = arith.extui %sign3A_1 : i1 to i32
    %sign3A_3 = arith.constant 0 : i32
    %sign3A_4 = arith.cmpi slt, %add3A, %sign3A_3 : i32
    %sign3A_5 = arith.extui %sign3A_4 : i1 to i32
    %sign3A_6 = arith.subi %sign3A_2, %sign3A_5 : i32
    %sign3A_7 = arith.constant 0 : i32
    %sign3A_8 = arith.cmpi sgt, %jit3A, %sign3A_7 : i32
    %sign3A_9 = arith.extui %sign3A_8 : i1 to i32
    %sign3A_10 = arith.constant 0 : i32
    %sign3A_11 = arith.cmpi slt, %jit3A, %sign3A_10 : i32
    %sign3A_12 = arith.extui %sign3A_11 : i1 to i32
    %sign3A_13 = arith.subi %sign3A_9, %sign3A_12 : i32
    %ne3A = arith.cmpi ne, %sign3A_6, %sign3A_13 : i32
    %rem3A = arith.remsi %add3A, %jit3A : i32
    %ne3A_14 = arith.constant 0 : i32
    %ne3A_15 = arith.cmpi ne, %rem3A, %ne3A_14 : i32
    %and3A = arith.andi %ne3A, %ne3A_15 : i1
    %sub3A = arith.constant 1 : i32
    %sub3A_16 = arith.subi %div3A, %sub3A : i32
    %select_n3A = arith.select %and3A, %sub3A_16, %div3A : i32
    %mul3A_17 = arith.constant 1024 : i32
    %mul3A_18 = arith.muli %add3A, %mul3A_17 : i32
    %mul3A_19 = arith.constant 3 : i32
    %mul3A_20 = arith.muli %select_n3A, %mul3A_19 : i32
    %mul3A_21 = arith.constant 16384 : i32
    %mul3A_22 = arith.muli %mul3A_20, %mul3A_21 : i32
    %jit3A_23 = arith.constant 16 : i32
    %eq3A = arith.constant 0 : i32
    %eq3A_24 = arith.cmpi eq, %jit3A_23, %eq3A : i32
    %jit3A_25 = arith.constant 1 : i32
    %select_n3A_26 = arith.select %eq3A_24, %jit3A_25, %jit3A_23 : i32
    %rem3A_27 = arith.remsi %add3A, %select_n3A_26 : i32
    %ne3A_28 = arith.constant 0 : i32
    %ne3A_29 = arith.cmpi ne, %rem3A_27, %ne3A_28 : i32
    %lt3A = arith.constant 0 : i32
    %lt3A_30 = arith.cmpi slt, %rem3A_27, %lt3A : i32
    %lt3A_31 = arith.constant 0 : i32
    %lt3A_32 = arith.cmpi slt, %select_n3A_26, %lt3A_31 : i32
    %ne3A_33 = arith.xori %lt3A_30, %lt3A_32 : i1
    %and3A_34 = arith.andi %ne3A_33, %ne3A_29 : i1
    %add3A_35 = arith.addi %rem3A_27, %select_n3A_26 : i32
    %select_n3A_36 = arith.select %and3A_34, %add3A_35, %rem3A_27 : i32
    %mul3A_37 = arith.constant 1024 : i32
    %mul3A_38 = arith.muli %select_n3A_36, %mul3A_37 : i32
    %add3A_39 = arith.addi %mul3A_22, %mul3A_38 : i32
    %mul3A_40 = arith.constant 3 : i32
    %mul3A_41 = arith.muli %select_n3A, %mul3A_40 : i32
    %mul3A_42 = arith.constant 2048 : i32
    %mul3A_43 = arith.muli %mul3A_41, %mul3A_42 : i32
    %dma_start3A = tpu.memref_slice %arg3[%mul3A_43] : memref<12288xf32, #tpu.memory_space<hbm>> -> memref<6144xf32, #tpu.memory_space<hbm>>
    %dma_start3A_44 = tpu.memref_slice %arg3[%mul3A_43] : memref<12288xf32, #tpu.memory_space<hbm>> -> memref<6144xf32, #tpu.memory_space<hbm>>
    tpu.enqueue_dma source(%dma_start3A_44 : memref<6144xf32, #tpu.memory_space<hbm>>) target(%arg8 : memref<6144xf32, #tpu.memory_space<vmem>>) target_semaphore(%arg15 : memref<!tpu.dma_semaphore, #tpu.memory_space<semaphore_mem>>)
    %dma_start3A_45 = tpu.memref_slice %arg2[%add3A_39] : memref<98304xf32, #tpu.memory_space<hbm>> -> memref<1024xf32, #tpu.memory_space<hbm>>
    %dma_start3A_46 = tpu.memref_slice %arg2[%add3A_39] : memref<98304xf32, #tpu.memory_space<hbm>> -> memref<1024xf32, #tpu.memory_space<hbm>>
    tpu.enqueue_dma source(%dma_start3A_46 : memref<1024xf32, #tpu.memory_space<hbm>>) target(%arg9 : memref<1024xf32, #tpu.memory_space<vmem>>) target_semaphore(%arg15 : memref<!tpu.dma_semaphore, #tpu.memory_space<semaphore_mem>>)
    %add3A_47 = arith.constant 16384 : i32
    %add3A_48 = arith.addi %add3A_39, %add3A_47 : i32
    %dma_start3A_49 = tpu.memref_slice %arg2[%add3A_48] : memref<98304xf32, #tpu.memory_space<hbm>> -> memref<1024xf32, #tpu.memory_space<hbm>>
    %dma_start3A_50 = tpu.memref_slice %arg2[%add3A_48] : memref<98304xf32, #tpu.memory_space<hbm>> -> memref<1024xf32, #tpu.memory_space<hbm>>
    tpu.enqueue_dma source(%dma_start3A_50 : memref<1024xf32, #tpu.memory_space<hbm>>) target(%arg10 : memref<1024xf32, #tpu.memory_space<vmem>>) target_semaphore(%arg15 : memref<!tpu.dma_semaphore, #tpu.memory_space<semaphore_mem>>)
    %add3A_51 = arith.constant 32768 : i32
    %add3A_52 = arith.addi %add3A_39, %add3A_51 : i32
    %dma_start3A_53 = tpu.memref_slice %arg2[%add3A_52] : memref<98304xf32, #tpu.memory_space<hbm>> -> memref<1024xf32, #tpu.memory_space<hbm>>
    %dma_start3A_54 = tpu.memref_slice %arg2[%add3A_52] : memref<98304xf32, #tpu.memory_space<hbm>> -> memref<1024xf32, #tpu.memory_space<hbm>>
    tpu.enqueue_dma source(%dma_start3A_54 : memref<1024xf32, #tpu.memory_space<hbm>>) target(%arg11 : memref<1024xf32, #tpu.memory_space<vmem>>) target_semaphore(%arg15 : memref<!tpu.dma_semaphore, #tpu.memory_space<semaphore_mem>>)
    %dma_start3A_55 = tpu.memref_slice %arg4[%mul3A_18] : memref<32768xi32, #tpu.memory_space<hbm>> -> memref<1024xi32, #tpu.memory_space<hbm>>
    %dma_start3A_56 = tpu.memref_slice %arg4[%mul3A_18] : memref<32768xi32, #tpu.memory_space<hbm>> -> memref<1024xi32, #tpu.memory_space<hbm>>
    tpu.enqueue_dma source(%dma_start3A_56 : memref<1024xi32, #tpu.memory_space<hbm>>) target(%arg12 : memref<1024xi32, #tpu.memory_space<vmem>>) target_semaphore(%arg15 : memref<!tpu.dma_semaphore, #tpu.memory_space<semaphore_mem>>)
    %dma_start3A_57 = tpu.memref_slice %arg5[%mul3A_18] : memref<32768xf32, #tpu.memory_space<hbm>> -> memref<1024xf32, #tpu.memory_space<hbm>>
    %dma_start3A_58 = tpu.memref_slice %arg5[%mul3A_18] : memref<32768xf32, #tpu.memory_space<hbm>> -> memref<1024xf32, #tpu.memory_space<hbm>>
    tpu.enqueue_dma source(%dma_start3A_58 : memref<1024xf32, #tpu.memory_space<hbm>>) target(%arg13 : memref<1024xf32, #tpu.memory_space<vmem>>) target_semaphore(%arg15 : memref<!tpu.dma_semaphore, #tpu.memory_space<semaphore_mem>>)
    %mul3A_59 = arith.constant 128 : i32
    %mul3A_60 = arith.muli %select_n3A, %mul3A_59 : i32
    %dma_start3A_61 = tpu.memref_slice %arg6[%mul3A_60] : memref<256xf32, #tpu.memory_space<hbm>> -> memref<16xf32, #tpu.memory_space<hbm>>
    %dma_start3A_62 = tpu.memref_slice %arg6[%mul3A_60] : memref<256xf32, #tpu.memory_space<hbm>> -> memref<16xf32, #tpu.memory_space<hbm>>
    tpu.enqueue_dma source(%dma_start3A_62 : memref<16xf32, #tpu.memory_space<hbm>>) target(%arg14 : memref<16xf32, #tpu.memory_space<vmem>>) target_semaphore(%arg15 : memref<!tpu.dma_semaphore, #tpu.memory_space<semaphore_mem>>)
    %dma_wait3A = tpu.memref_slice %arg3[%mul3A_43] : memref<12288xf32, #tpu.memory_space<hbm>> -> memref<6144xf32, #tpu.memory_space<hbm>>
    %dma_wait3A_63 = tpu.memref_slice %arg3[%mul3A_43] : memref<12288xf32, #tpu.memory_space<hbm>> -> memref<6144xf32, #tpu.memory_space<hbm>>
    tpu.wait_dma2 semaphore(%arg15 : memref<!tpu.dma_semaphore, #tpu.memory_space<semaphore_mem>>) src(%dma_wait3A_63 : memref<6144xf32, #tpu.memory_space<hbm>>) dst(%arg8 : memref<6144xf32, #tpu.memory_space<vmem>>)
    %dma_wait3A_64 = tpu.memref_slice %arg2[%add3A_39] : memref<98304xf32, #tpu.memory_space<hbm>> -> memref<1024xf32, #tpu.memory_space<hbm>>
    %dma_wait3A_65 = tpu.memref_slice %arg2[%add3A_39] : memref<98304xf32, #tpu.memory_space<hbm>> -> memref<1024xf32, #tpu.memory_space<hbm>>
    tpu.wait_dma2 semaphore(%arg15 : memref<!tpu.dma_semaphore, #tpu.memory_space<semaphore_mem>>) src(%dma_wait3A_65 : memref<1024xf32, #tpu.memory_space<hbm>>) dst(%arg9 : memref<1024xf32, #tpu.memory_space<vmem>>)
    %dma_wait3A_66 = tpu.memref_slice %arg2[%add3A_48] : memref<98304xf32, #tpu.memory_space<hbm>> -> memref<1024xf32, #tpu.memory_space<hbm>>
    %dma_wait3A_67 = tpu.memref_slice %arg2[%add3A_48] : memref<98304xf32, #tpu.memory_space<hbm>> -> memref<1024xf32, #tpu.memory_space<hbm>>
    tpu.wait_dma2 semaphore(%arg15 : memref<!tpu.dma_semaphore, #tpu.memory_space<semaphore_mem>>) src(%dma_wait3A_67 : memref<1024xf32, #tpu.memory_space<hbm>>) dst(%arg10 : memref<1024xf32, #tpu.memory_space<vmem>>)
    %dma_wait3A_68 = tpu.memref_slice %arg2[%add3A_52] : memref<98304xf32, #tpu.memory_space<hbm>> -> memref<1024xf32, #tpu.memory_space<hbm>>
    %dma_wait3A_69 = tpu.memref_slice %arg2[%add3A_52] : memref<98304xf32, #tpu.memory_space<hbm>> -> memref<1024xf32, #tpu.memory_space<hbm>>
    tpu.wait_dma2 semaphore(%arg15 : memref<!tpu.dma_semaphore, #tpu.memory_space<semaphore_mem>>) src(%dma_wait3A_69 : memref<1024xf32, #tpu.memory_space<hbm>>) dst(%arg11 : memref<1024xf32, #tpu.memory_space<vmem>>)
    %dma_wait3A_70 = tpu.memref_slice %arg4[%mul3A_18] : memref<32768xi32, #tpu.memory_space<hbm>> -> memref<1024xi32, #tpu.memory_space<hbm>>
    %dma_wait3A_71 = tpu.memref_slice %arg4[%mul3A_18] : memref<32768xi32, #tpu.memory_space<hbm>> -> memref<1024xi32, #tpu.memory_space<hbm>>
    tpu.wait_dma2 semaphore(%arg15 : memref<!tpu.dma_semaphore, #tpu.memory_space<semaphore_mem>>) src(%dma_wait3A_71 : memref<1024xi32, #tpu.memory_space<hbm>>) dst(%arg12 : memref<1024xi32, #tpu.memory_space<vmem>>)
    %dma_wait3A_72 = tpu.memref_slice %arg5[%mul3A_18] : memref<32768xf32, #tpu.memory_space<hbm>> -> memref<1024xf32, #tpu.memory_space<hbm>>
    %dma_wait3A_73 = tpu.memref_slice %arg5[%mul3A_18] : memref<32768xf32, #tpu.memory_space<hbm>> -> memref<1024xf32, #tpu.memory_space<hbm>>
    tpu.wait_dma2 semaphore(%arg15 : memref<!tpu.dma_semaphore, #tpu.memory_space<semaphore_mem>>) src(%dma_wait3A_73 : memref<1024xf32, #tpu.memory_space<hbm>>) dst(%arg13 : memref<1024xf32, #tpu.memory_space<vmem>>)
    %dma_wait3A_74 = tpu.memref_slice %arg6[%mul3A_60] : memref<256xf32, #tpu.memory_space<hbm>> -> memref<16xf32, #tpu.memory_space<hbm>>
    %dma_wait3A_75 = tpu.memref_slice %arg6[%mul3A_60] : memref<256xf32, #tpu.memory_space<hbm>> -> memref<16xf32, #tpu.memory_space<hbm>>
    tpu.wait_dma2 semaphore(%arg15 : memref<!tpu.dma_semaphore, #tpu.memory_space<semaphore_mem>>) src(%dma_wait3A_75 : memref<16xf32, #tpu.memory_space<hbm>>) dst(%arg14 : memref<16xf32, #tpu.memory_space<vmem>>)
    %get3A = arith.constant 0 : index
    %get3A_76 = tpu.vector_load %arg14[%get3A] {strides = array<i32>} : memref<16xf32, #tpu.memory_space<vmem>>, vector<16xf32>,
    %add3A_77 = arith.constant 9.99999997E-7 : f32
    %add3A_78 = vector.broadcast %add3A_77 : f32 to vector<16xf32>
    %add3A_79 = arith.addf %get3A_76, %add3A_78 : vector<16xf32>
    %scan3A = arith.constant 0 : i32
    %scan3A_80 = arith.constant 0 : i32
    %scan3A_81 = arith.constant 64 : i32
    %scan3A_82 = arith.addi %scan3A_80, %scan3A_81 : i32
    %scan3A_83 = arith.constant 1 : i32
    scf.for %scan3A_101 = %scan3A_80 to %scan3A_82 step %scan3A_83  : i32 {
      %mul3A_102 = arith.constant 16 : i32
      %mul3A_103 = arith.muli %scan3A_101, %mul3A_102 : i32
      %get3A_104 = arith.index_cast %mul3A_103 : i32 to index
      %get3A_105 = tpu.vector_load %arg12[%get3A_104] {strides = array<i32>} : memref<1024xi32, #tpu.memory_space<vmem>>, vector<16xi32>,
      %mul3A_106 = arith.constant 3 : i32
      %mul3A_107 = vector.broadcast %mul3A_106 : i32 to vector<16xi32>
      %mul3A_108 = arith.muli %get3A_105, %mul3A_107 : vector<16xi32>
      %gather3A = tpu.vector_load_idx %arg8[%mul3A_108] : memref<6144xf32, #tpu.memory_space<vmem>>[vector<16xi32>], vector<16xf32>,
      %add3A_109 = arith.constant 1 : i32
      %add3A_110 = vector.broadcast %add3A_109 : i32 to vector<16xi32>
      %add3A_111 = arith.addi %mul3A_108, %add3A_110 : vector<16xi32>
      %gather3A_112 = tpu.vector_load_idx %arg8[%add3A_111] : memref<6144xf32, #tpu.memory_space<vmem>>[vector<16xi32>], vector<16xf32>,
      %add3A_113 = arith.constant 2 : i32
      %add3A_114 = vector.broadcast %add3A_113 : i32 to vector<16xi32>
      %add3A_115 = arith.addi %mul3A_108, %add3A_114 : vector<16xi32>
      %gather3A_116 = tpu.vector_load_idx %arg8[%add3A_115] : memref<6144xf32, #tpu.memory_space<vmem>>[vector<16xi32>], vector<16xf32>,
      %get3A_117 = arith.index_cast %mul3A_103 : i32 to index
      %get3A_118 = tpu.vector_load %arg13[%get3A_117] {strides = array<i32>} : memref<1024xf32, #tpu.memory_space<vmem>>, vector<16xf32>,
      %div3A_119 = arith.divf %get3A_118, %add3A_79 : vector<16xf32>
      %sub3A_120 = arith.constant 2.000000e+00 : f32
      %sub3A_121 = vector.broadcast %sub3A_120 : f32 to vector<16xf32>
      %sub3A_122 = arith.subf %sub3A_121, %div3A_119 : vector<16xf32>
      %mul3A_123 = arith.constant 1.000000e-01 : f32
      %mul3A_124 = vector.broadcast %mul3A_123 : f32 to vector<16xf32>
      %mul3A_125 = arith.mulf %mul3A_124, %sub3A_122 : vector<16xf32>
      %get3A_126 = arith.index_cast %mul3A_103 : i32 to index
      %get3A_127 = tpu.vector_load %arg9[%get3A_126] {strides = array<i32>} : memref<1024xf32, #tpu.memory_space<vmem>>, vector<16xf32>,
      %get3A_128 = arith.index_cast %mul3A_103 : i32 to index
      %get3A_129 = tpu.vector_load %arg10[%get3A_128] {strides = array<i32>} : memref<1024xf32, #tpu.memory_space<vmem>>, vector<16xf32>,
      %get3A_130 = arith.index_cast %mul3A_103 : i32 to index
      %get3A_131 = tpu.vector_load %arg11[%get3A_130] {strides = array<i32>} : memref<1024xf32, #tpu.memory_space<vmem>>, vector<16xf32>,
      %sub3A_132 = arith.subf %gather3A, %get3A_127 : vector<16xf32>
      %mul3A_133 = arith.mulf %mul3A_125, %sub3A_132 : vector<16xf32>
      %add3A_134 = arith.addf %get3A_127, %mul3A_133 : vector<16xf32>
      %swap3A = arith.index_cast %mul3A_103 : i32 to index
      %swap3A_135 = tpu.vector_load %arg9[%swap3A] {strides = array<i32>} : memref<1024xf32, #tpu.memory_space<vmem>>, vector<16xf32>,
      tpu.vector_store %arg9[%swap3A], %add3A_134 {strides = array<i32>} : memref<1024xf32, #tpu.memory_space<vmem>>, vector<16xf32>,
      %sub3A_136 = arith.subf %gather3A_112, %get3A_129 : vector<16xf32>
      %mul3A_137 = arith.mulf %mul3A_125, %sub3A_136 : vector<16xf32>
      %add3A_138 = arith.addf %get3A_129, %mul3A_137 : vector<16xf32>
      %swap3A_139 = arith.index_cast %mul3A_103 : i32 to index
      %swap3A_140 = tpu.vector_load %arg10[%swap3A_139] {strides = array<i32>} : memref<1024xf32, #tpu.memory_space<vmem>>, vector<16xf32>,
      tpu.vector_store %arg10[%swap3A_139], %add3A_138 {strides = array<i32>} : memref<1024xf32, #tpu.memory_space<vmem>>, vector<16xf32>,
      %sub3A_141 = arith.subf %gather3A_116, %get3A_131 : vector<16xf32>
      %mul3A_142 = arith.mulf %mul3A_125, %sub3A_141 : vector<16xf32>
      %add3A_143 = arith.addf %get3A_131, %mul3A_142 : vector<16xf32>
      %swap3A_144 = arith.index_cast %mul3A_103 : i32 to index
      %swap3A_145 = tpu.vector_load %arg11[%swap3A_144] {strides = array<i32>} : memref<1024xf32, #tpu.memory_space<vmem>>, vector<16xf32>,
      tpu.vector_store %arg11[%swap3A_144], %add3A_143 {strides = array<i32>} : memref<1024xf32, #tpu.memory_space<vmem>>, vector<16xf32>,
    }
    %scan3A_84 = arith.constant 64 : i32
    %dma_start3A_85 = tpu.memref_slice %arg7[%add3A_39] : memref<98304xf32, #tpu.memory_space<hbm>> -> memref<1024xf32, #tpu.memory_space<hbm>>
    %dma_start3A_86 = tpu.memref_slice %arg7[%add3A_39] : memref<98304xf32, #tpu.memory_space<hbm>> -> memref<1024xf32, #tpu.memory_space<hbm>>
    tpu.enqueue_dma source(%arg9 : memref<1024xf32, #tpu.memory_space<vmem>>) target(%dma_start3A_86 : memref<1024xf32, #tpu.memory_space<hbm>>) target_semaphore(%arg15 : memref<!tpu.dma_semaphore, #tpu.memory_space<semaphore_mem>>)
    %add3A_87 = arith.constant 16384 : i32
    %add3A_88 = arith.addi %add3A_39, %add3A_87 : i32
    %dma_start3A_89 = tpu.memref_slice %arg7[%add3A_88] : memref<98304xf32, #tpu.memory_space<hbm>> -> memref<1024xf32, #tpu.memory_space<hbm>>
    %dma_start3A_90 = tpu.memref_slice %arg7[%add3A_88] : memref<98304xf32, #tpu.memory_space<hbm>> -> memref<1024xf32, #tpu.memory_space<hbm>>
    tpu.enqueue_dma source(%arg10 : memref<1024xf32, #tpu.memory_space<vmem>>) target(%dma_start3A_90 : memref<1024xf32, #tpu.memory_space<hbm>>) target_semaphore(%arg15 : memref<!tpu.dma_semaphore, #tpu.memory_space<semaphore_mem>>)
    %add3A_91 = arith.constant 32768 : i32
    %add3A_92 = arith.addi %add3A_39, %add3A_91 : i32
    %dma_start3A_93 = tpu.memref_slice %arg7[%add3A_92] : memref<98304xf32, #tpu.memory_space<hbm>> -> memref<1024xf32, #tpu.memory_space<hbm>>
    %dma_start3A_94 = tpu.memref_slice %arg7[%add3A_92] : memref<98304xf32, #tpu.memory_space<hbm>> -> memref<1024xf32, #tpu.memory_space<hbm>>
    tpu.enqueue_dma source(%arg11 : memref<1024xf32, #tpu.memory_space<vmem>>) target(%dma_start3A_94 : memref<1024xf32, #tpu.memory_space<hbm>>) target_semaphore(%arg15 : memref<!tpu.dma_semaphore, #tpu.memory_space<semaphore_mem>>)
    %dma_wait3A_95 = tpu.memref_slice %arg7[%add3A_39] : memref<98304xf32, #tpu.memory_space<hbm>> -> memref<1024xf32, #tpu.memory_space<hbm>>
    %dma_wait3A_96 = tpu.memref_slice %arg7[%add3A_39] : memref<98304xf32, #tpu.memory_space<hbm>> -> memref<1024xf32, #tpu.memory_space<hbm>>
    tpu.wait_dma2 semaphore(%arg15 : memref<!tpu.dma_semaphore, #tpu.memory_space<semaphore_mem>>) src(%arg9 : memref<1024xf32, #tpu.memory_space<vmem>>) dst(%dma_wait3A_96 : memref<1024xf32, #tpu.memory_space<hbm>>)
    %dma_wait3A_97 = tpu.memref_slice %arg7[%add3A_88] : memref<98304xf32, #tpu.memory_space<hbm>> -> memref<1024xf32, #tpu.memory_space<hbm>>
    %dma_wait3A_98 = tpu.memref_slice %arg7[%add3A_88] : memref<98304xf32, #tpu.memory_space<hbm>> -> memref<1024xf32, #tpu.memory_space<hbm>>
    tpu.wait_dma2 semaphore(%arg15 : memref<!tpu.dma_semaphore, #tpu.memory_space<semaphore_mem>>) src(%arg10 : memref<1024xf32, #tpu.memory_space<vmem>>) dst(%dma_wait3A_98 : memref<1024xf32, #tpu.memory_space<hbm>>)
    %dma_wait3A_99 = tpu.memref_slice %arg7[%add3A_92] : memref<98304xf32, #tpu.memory_space<hbm>> -> memref<1024xf32, #tpu.memory_space<hbm>>
    %dma_wait3A_100 = tpu.memref_slice %arg7[%add3A_92] : memref<98304xf32, #tpu.memory_space<hbm>> -> memref<1024xf32, #tpu.memory_space<hbm>>
    tpu.wait_dma2 semaphore(%arg15 : memref<!tpu.dma_semaphore, #tpu.memory_space<semaphore_mem>>) src(%arg11 : memref<1024xf32, #tpu.memory_space<vmem>>) dst(%dma_wait3A_100 : memref<1024xf32, #tpu.memory_space<hbm>>)
    return
  }
}

#map = affine_map<(d0, d1) -> (0)>
module attributes {stable_mosaic.version = 14 : i64} {
  func.func @_sc_update_body(%arg0: i32, %arg1: i32, %arg2: memref<98304xf32, #tpu.memory_space<hbm>>, %arg3: memref<12288xf32, #tpu.memory_space<hbm>>, %arg4: memref<32768xi32, #tpu.memory_space<hbm>>, %arg5: memref<32768xf32, #tpu.memory_space<hbm>>, %arg6: memref<256xf32, #tpu.memory_space<hbm>>, %arg7: memref<98304xf32, #tpu.memory_space<hbm>>, %arg8: memref<6144xf32, #tpu.memory_space<vmem>>, %arg9: memref<1024xf32, #tpu.memory_space<vmem>>, %arg10: memref<1024xf32, #tpu.memory_space<vmem>>, %arg11: memref<1024xf32, #tpu.memory_space<vmem>>, %arg12: memref<1024xi32, #tpu.memory_space<vmem>>, %arg13: memref<1024xf32, #tpu.memory_space<vmem>>, %arg14: memref<16xf32, #tpu.memory_space<vmem>>, %arg15: memref<!tpu.dma_semaphore, #tpu.memory_space<semaphore_mem>>) attributes {dimension_semantics = [#tpu.dimension_semantics<core_parallel>, #tpu.dimension_semantics<subcore_parallel>], iteration_bounds = array<i64: 2, 16>, scalar_prefetch = 0 : i64, scratch_operands = 8 : i64, tpu.core_type = #tpu.core_type<sc_vector_subcore>, window_params = [{transform_indices = #map}, {transform_indices = #map}, {transform_indices = #map}, {transform_indices = #map}, {transform_indices = #map}, {transform_indices = #map}]} {
    %mul3A = arith.constant 2 : i32
    %mul3A_0 = arith.muli %arg1, %mul3A : i32
    %add3A = arith.addi %mul3A_0, %arg0 : i32
    %jit3A = arith.constant 16 : i32
    %div3A = arith.divsi %add3A, %jit3A : i32
    %sign3A = arith.constant 0 : i32
    %sign3A_1 = arith.cmpi sgt, %add3A, %sign3A : i32
    %sign3A_2 = arith.extui %sign3A_1 : i1 to i32
    %sign3A_3 = arith.constant 0 : i32
    %sign3A_4 = arith.cmpi slt, %add3A, %sign3A_3 : i32
    %sign3A_5 = arith.extui %sign3A_4 : i1 to i32
    %sign3A_6 = arith.subi %sign3A_2, %sign3A_5 : i32
    %sign3A_7 = arith.constant 0 : i32
    %sign3A_8 = arith.cmpi sgt, %jit3A, %sign3A_7 : i32
    %sign3A_9 = arith.extui %sign3A_8 : i1 to i32
    %sign3A_10 = arith.constant 0 : i32
    %sign3A_11 = arith.cmpi slt, %jit3A, %sign3A_10 : i32
    %sign3A_12 = arith.extui %sign3A_11 : i1 to i32
    %sign3A_13 = arith.subi %sign3A_9, %sign3A_12 : i32
    %ne3A = arith.cmpi ne, %sign3A_6, %sign3A_13 : i32
    %rem3A = arith.remsi %add3A, %jit3A : i32
    %ne3A_14 = arith.constant 0 : i32
    %ne3A_15 = arith.cmpi ne, %rem3A, %ne3A_14 : i32
    %and3A = arith.andi %ne3A, %ne3A_15 : i1
    %sub3A = arith.constant 1 : i32
    %sub3A_16 = arith.subi %div3A, %sub3A : i32
    %select_n3A = arith.select %and3A, %sub3A_16, %div3A : i32
    %mul3A_17 = arith.constant 1024 : i32
    %mul3A_18 = arith.muli %add3A, %mul3A_17 : i32
    %mul3A_19 = arith.constant 3 : i32
    %mul3A_20 = arith.muli %select_n3A, %mul3A_19 : i32
    %mul3A_21 = arith.constant 16384 : i32
    %mul3A_22 = arith.muli %mul3A_20, %mul3A_21 : i32
    %jit3A_23 = arith.constant 16 : i32
    %eq3A = arith.constant 0 : i32
    %eq3A_24 = arith.cmpi eq, %jit3A_23, %eq3A : i32
    %jit3A_25 = arith.constant 1 : i32
    %select_n3A_26 = arith.select %eq3A_24, %jit3A_25, %jit3A_23 : i32
    %rem3A_27 = arith.remsi %add3A, %select_n3A_26 : i32
    %ne3A_28 = arith.constant 0 : i32
    %ne3A_29 = arith.cmpi ne, %rem3A_27, %ne3A_28 : i32
    %lt3A = arith.constant 0 : i32
    %lt3A_30 = arith.cmpi slt, %rem3A_27, %lt3A : i32
    %lt3A_31 = arith.constant 0 : i32
    %lt3A_32 = arith.cmpi slt, %select_n3A_26, %lt3A_31 : i32
    %ne3A_33 = arith.xori %lt3A_30, %lt3A_32 : i1
    %and3A_34 = arith.andi %ne3A_33, %ne3A_29 : i1
    %add3A_35 = arith.addi %rem3A_27, %select_n3A_26 : i32
    %select_n3A_36 = arith.select %and3A_34, %add3A_35, %rem3A_27 : i32
    %mul3A_37 = arith.constant 1024 : i32
    %mul3A_38 = arith.muli %select_n3A_36, %mul3A_37 : i32
    %add3A_39 = arith.addi %mul3A_22, %mul3A_38 : i32
    %mul3A_40 = arith.constant 3 : i32
    %mul3A_41 = arith.muli %select_n3A, %mul3A_40 : i32
    %mul3A_42 = arith.constant 2048 : i32
    %mul3A_43 = arith.muli %mul3A_41, %mul3A_42 : i32
    %dma_start3A = tpu.memref_slice %arg3[%mul3A_43] : memref<12288xf32, #tpu.memory_space<hbm>> -> memref<6144xf32, #tpu.memory_space<hbm>>
    %dma_start3A_44 = tpu.memref_slice %arg3[%mul3A_43] : memref<12288xf32, #tpu.memory_space<hbm>> -> memref<6144xf32, #tpu.memory_space<hbm>>
    tpu.enqueue_dma source(%dma_start3A_44 : memref<6144xf32, #tpu.memory_space<hbm>>) target(%arg8 : memref<6144xf32, #tpu.memory_space<vmem>>) target_semaphore(%arg15 : memref<!tpu.dma_semaphore, #tpu.memory_space<semaphore_mem>>)
    %dma_start3A_45 = tpu.memref_slice %arg2[%add3A_39] : memref<98304xf32, #tpu.memory_space<hbm>> -> memref<1024xf32, #tpu.memory_space<hbm>>
    %dma_start3A_46 = tpu.memref_slice %arg2[%add3A_39] : memref<98304xf32, #tpu.memory_space<hbm>> -> memref<1024xf32, #tpu.memory_space<hbm>>
    tpu.enqueue_dma source(%dma_start3A_46 : memref<1024xf32, #tpu.memory_space<hbm>>) target(%arg9 : memref<1024xf32, #tpu.memory_space<vmem>>) target_semaphore(%arg15 : memref<!tpu.dma_semaphore, #tpu.memory_space<semaphore_mem>>)
    %add3A_47 = arith.constant 16384 : i32
    %add3A_48 = arith.addi %add3A_39, %add3A_47 : i32
    %dma_start3A_49 = tpu.memref_slice %arg2[%add3A_48] : memref<98304xf32, #tpu.memory_space<hbm>> -> memref<1024xf32, #tpu.memory_space<hbm>>
    %dma_start3A_50 = tpu.memref_slice %arg2[%add3A_48] : memref<98304xf32, #tpu.memory_space<hbm>> -> memref<1024xf32, #tpu.memory_space<hbm>>
    tpu.enqueue_dma source(%dma_start3A_50 : memref<1024xf32, #tpu.memory_space<hbm>>) target(%arg10 : memref<1024xf32, #tpu.memory_space<vmem>>) target_semaphore(%arg15 : memref<!tpu.dma_semaphore, #tpu.memory_space<semaphore_mem>>)
    %add3A_51 = arith.constant 32768 : i32
    %add3A_52 = arith.addi %add3A_39, %add3A_51 : i32
    %dma_start3A_53 = tpu.memref_slice %arg2[%add3A_52] : memref<98304xf32, #tpu.memory_space<hbm>> -> memref<1024xf32, #tpu.memory_space<hbm>>
    %dma_start3A_54 = tpu.memref_slice %arg2[%add3A_52] : memref<98304xf32, #tpu.memory_space<hbm>> -> memref<1024xf32, #tpu.memory_space<hbm>>
    tpu.enqueue_dma source(%dma_start3A_54 : memref<1024xf32, #tpu.memory_space<hbm>>) target(%arg11 : memref<1024xf32, #tpu.memory_space<vmem>>) target_semaphore(%arg15 : memref<!tpu.dma_semaphore, #tpu.memory_space<semaphore_mem>>)
    %dma_start3A_55 = tpu.memref_slice %arg4[%mul3A_18] : memref<32768xi32, #tpu.memory_space<hbm>> -> memref<1024xi32, #tpu.memory_space<hbm>>
    %dma_start3A_56 = tpu.memref_slice %arg4[%mul3A_18] : memref<32768xi32, #tpu.memory_space<hbm>> -> memref<1024xi32, #tpu.memory_space<hbm>>
    tpu.enqueue_dma source(%dma_start3A_56 : memref<1024xi32, #tpu.memory_space<hbm>>) target(%arg12 : memref<1024xi32, #tpu.memory_space<vmem>>) target_semaphore(%arg15 : memref<!tpu.dma_semaphore, #tpu.memory_space<semaphore_mem>>)
    %dma_start3A_57 = tpu.memref_slice %arg5[%mul3A_18] : memref<32768xf32, #tpu.memory_space<hbm>> -> memref<1024xf32, #tpu.memory_space<hbm>>
    %dma_start3A_58 = tpu.memref_slice %arg5[%mul3A_18] : memref<32768xf32, #tpu.memory_space<hbm>> -> memref<1024xf32, #tpu.memory_space<hbm>>
    tpu.enqueue_dma source(%dma_start3A_58 : memref<1024xf32, #tpu.memory_space<hbm>>) target(%arg13 : memref<1024xf32, #tpu.memory_space<vmem>>) target_semaphore(%arg15 : memref<!tpu.dma_semaphore, #tpu.memory_space<semaphore_mem>>)
    %mul3A_59 = arith.constant 128 : i32
    %mul3A_60 = arith.muli %select_n3A, %mul3A_59 : i32
    %dma_start3A_61 = tpu.memref_slice %arg6[%mul3A_60] : memref<256xf32, #tpu.memory_space<hbm>> -> memref<16xf32, #tpu.memory_space<hbm>>
    %dma_start3A_62 = tpu.memref_slice %arg6[%mul3A_60] : memref<256xf32, #tpu.memory_space<hbm>> -> memref<16xf32, #tpu.memory_space<hbm>>
    tpu.enqueue_dma source(%dma_start3A_62 : memref<16xf32, #tpu.memory_space<hbm>>) target(%arg14 : memref<16xf32, #tpu.memory_space<vmem>>) target_semaphore(%arg15 : memref<!tpu.dma_semaphore, #tpu.memory_space<semaphore_mem>>)
    %dma_wait3A = tpu.memref_slice %arg3[%mul3A_43] : memref<12288xf32, #tpu.memory_space<hbm>> -> memref<6144xf32, #tpu.memory_space<hbm>>
    %dma_wait3A_63 = tpu.memref_slice %arg3[%mul3A_43] : memref<12288xf32, #tpu.memory_space<hbm>> -> memref<6144xf32, #tpu.memory_space<hbm>>
    tpu.wait_dma2 semaphore(%arg15 : memref<!tpu.dma_semaphore, #tpu.memory_space<semaphore_mem>>) src(%dma_wait3A_63 : memref<6144xf32, #tpu.memory_space<hbm>>) dst(%arg8 : memref<6144xf32, #tpu.memory_space<vmem>>)
    %dma_wait3A_64 = tpu.memref_slice %arg2[%add3A_39] : memref<98304xf32, #tpu.memory_space<hbm>> -> memref<1024xf32, #tpu.memory_space<hbm>>
    %dma_wait3A_65 = tpu.memref_slice %arg2[%add3A_39] : memref<98304xf32, #tpu.memory_space<hbm>> -> memref<1024xf32, #tpu.memory_space<hbm>>
    tpu.wait_dma2 semaphore(%arg15 : memref<!tpu.dma_semaphore, #tpu.memory_space<semaphore_mem>>) src(%dma_wait3A_65 : memref<1024xf32, #tpu.memory_space<hbm>>) dst(%arg9 : memref<1024xf32, #tpu.memory_space<vmem>>)
    %dma_wait3A_66 = tpu.memref_slice %arg2[%add3A_48] : memref<98304xf32, #tpu.memory_space<hbm>> -> memref<1024xf32, #tpu.memory_space<hbm>>
    %dma_wait3A_67 = tpu.memref_slice %arg2[%add3A_48] : memref<98304xf32, #tpu.memory_space<hbm>> -> memref<1024xf32, #tpu.memory_space<hbm>>
    tpu.wait_dma2 semaphore(%arg15 : memref<!tpu.dma_semaphore, #tpu.memory_space<semaphore_mem>>) src(%dma_wait3A_67 : memref<1024xf32, #tpu.memory_space<hbm>>) dst(%arg10 : memref<1024xf32, #tpu.memory_space<vmem>>)
    %dma_wait3A_68 = tpu.memref_slice %arg2[%add3A_52] : memref<98304xf32, #tpu.memory_space<hbm>> -> memref<1024xf32, #tpu.memory_space<hbm>>
    %dma_wait3A_69 = tpu.memref_slice %arg2[%add3A_52] : memref<98304xf32, #tpu.memory_space<hbm>> -> memref<1024xf32, #tpu.memory_space<hbm>>
    tpu.wait_dma2 semaphore(%arg15 : memref<!tpu.dma_semaphore, #tpu.memory_space<semaphore_mem>>) src(%dma_wait3A_69 : memref<1024xf32, #tpu.memory_space<hbm>>) dst(%arg11 : memref<1024xf32, #tpu.memory_space<vmem>>)
    %dma_wait3A_70 = tpu.memref_slice %arg4[%mul3A_18] : memref<32768xi32, #tpu.memory_space<hbm>> -> memref<1024xi32, #tpu.memory_space<hbm>>
    %dma_wait3A_71 = tpu.memref_slice %arg4[%mul3A_18] : memref<32768xi32, #tpu.memory_space<hbm>> -> memref<1024xi32, #tpu.memory_space<hbm>>
    tpu.wait_dma2 semaphore(%arg15 : memref<!tpu.dma_semaphore, #tpu.memory_space<semaphore_mem>>) src(%dma_wait3A_71 : memref<1024xi32, #tpu.memory_space<hbm>>) dst(%arg12 : memref<1024xi32, #tpu.memory_space<vmem>>)
    %dma_wait3A_72 = tpu.memref_slice %arg5[%mul3A_18] : memref<32768xf32, #tpu.memory_space<hbm>> -> memref<1024xf32, #tpu.memory_space<hbm>>
    %dma_wait3A_73 = tpu.memref_slice %arg5[%mul3A_18] : memref<32768xf32, #tpu.memory_space<hbm>> -> memref<1024xf32, #tpu.memory_space<hbm>>
    tpu.wait_dma2 semaphore(%arg15 : memref<!tpu.dma_semaphore, #tpu.memory_space<semaphore_mem>>) src(%dma_wait3A_73 : memref<1024xf32, #tpu.memory_space<hbm>>) dst(%arg13 : memref<1024xf32, #tpu.memory_space<vmem>>)
    %dma_wait3A_74 = tpu.memref_slice %arg6[%mul3A_60] : memref<256xf32, #tpu.memory_space<hbm>> -> memref<16xf32, #tpu.memory_space<hbm>>
    %dma_wait3A_75 = tpu.memref_slice %arg6[%mul3A_60] : memref<256xf32, #tpu.memory_space<hbm>> -> memref<16xf32, #tpu.memory_space<hbm>>
    tpu.wait_dma2 semaphore(%arg15 : memref<!tpu.dma_semaphore, #tpu.memory_space<semaphore_mem>>) src(%dma_wait3A_75 : memref<16xf32, #tpu.memory_space<hbm>>) dst(%arg14 : memref<16xf32, #tpu.memory_space<vmem>>)
    %get3A = arith.constant 0 : index
    %get3A_76 = tpu.vector_load %arg14[%get3A] {strides = array<i32>} : memref<16xf32, #tpu.memory_space<vmem>>, vector<16xf32>,
    %add3A_77 = arith.constant 9.99999997E-7 : f32
    %add3A_78 = vector.broadcast %add3A_77 : f32 to vector<16xf32>
    %add3A_79 = arith.addf %get3A_76, %add3A_78 : vector<16xf32>
    %scan3A = arith.constant 0 : i32
    %scan3A_80 = arith.constant 0 : i32
    %scan3A_81 = arith.constant 64 : i32
    %scan3A_82 = arith.addi %scan3A_80, %scan3A_81 : i32
    %scan3A_83 = arith.constant 1 : i32
    scf.for %scan3A_101 = %scan3A_80 to %scan3A_82 step %scan3A_83  : i32 {
      %mul3A_102 = arith.constant 16 : i32
      %mul3A_103 = arith.muli %scan3A_101, %mul3A_102 : i32
      %get3A_104 = arith.index_cast %mul3A_103 : i32 to index
      %get3A_105 = tpu.vector_load %arg12[%get3A_104] {strides = array<i32>} : memref<1024xi32, #tpu.memory_space<vmem>>, vector<16xi32>,
      %mul3A_106 = arith.constant 3 : i32
      %mul3A_107 = vector.broadcast %mul3A_106 : i32 to vector<16xi32>
      %mul3A_108 = arith.muli %get3A_105, %mul3A_107 : vector<16xi32>
      %gather3A = tpu.vector_load_idx %arg8[%mul3A_108] : memref<6144xf32, #tpu.memory_space<vmem>>[vector<16xi32>], vector<16xf32>,
      %add3A_109 = arith.constant 1 : i32
      %add3A_110 = vector.broadcast %add3A_109 : i32 to vector<16xi32>
      %add3A_111 = arith.addi %mul3A_108, %add3A_110 : vector<16xi32>
      %gather3A_112 = tpu.vector_load_idx %arg8[%add3A_111] : memref<6144xf32, #tpu.memory_space<vmem>>[vector<16xi32>], vector<16xf32>,
      %add3A_113 = arith.constant 2 : i32
      %add3A_114 = vector.broadcast %add3A_113 : i32 to vector<16xi32>
      %add3A_115 = arith.addi %mul3A_108, %add3A_114 : vector<16xi32>
      %gather3A_116 = tpu.vector_load_idx %arg8[%add3A_115] : memref<6144xf32, #tpu.memory_space<vmem>>[vector<16xi32>], vector<16xf32>,
      %get3A_117 = arith.index_cast %mul3A_103 : i32 to index
      %get3A_118 = tpu.vector_load %arg13[%get3A_117] {strides = array<i32>} : memref<1024xf32, #tpu.memory_space<vmem>>, vector<16xf32>,
      %div3A_119 = arith.divf %get3A_118, %add3A_79 : vector<16xf32>
      %sub3A_120 = arith.constant 2.000000e+00 : f32
      %sub3A_121 = vector.broadcast %sub3A_120 : f32 to vector<16xf32>
      %sub3A_122 = arith.subf %sub3A_121, %div3A_119 : vector<16xf32>
      %mul3A_123 = arith.constant 1.000000e-01 : f32
      %mul3A_124 = vector.broadcast %mul3A_123 : f32 to vector<16xf32>
      %mul3A_125 = arith.mulf %mul3A_124, %sub3A_122 : vector<16xf32>
      %get3A_126 = arith.index_cast %mul3A_103 : i32 to index
      %get3A_127 = tpu.vector_load %arg9[%get3A_126] {strides = array<i32>} : memref<1024xf32, #tpu.memory_space<vmem>>, vector<16xf32>,
      %get3A_128 = arith.index_cast %mul3A_103 : i32 to index
      %get3A_129 = tpu.vector_load %arg10[%get3A_128] {strides = array<i32>} : memref<1024xf32, #tpu.memory_space<vmem>>, vector<16xf32>,
      %get3A_130 = arith.index_cast %mul3A_103 : i32 to index
      %get3A_131 = tpu.vector_load %arg11[%get3A_130] {strides = array<i32>} : memref<1024xf32, #tpu.memory_space<vmem>>, vector<16xf32>,
      %sub3A_132 = arith.subf %gather3A, %get3A_127 : vector<16xf32>
      %mul3A_133 = arith.mulf %mul3A_125, %sub3A_132 : vector<16xf32>
      %add3A_134 = arith.addf %get3A_127, %mul3A_133 : vector<16xf32>
      %swap3A = arith.index_cast %mul3A_103 : i32 to index
      %swap3A_135 = tpu.vector_load %arg9[%swap3A] {strides = array<i32>} : memref<1024xf32, #tpu.memory_space<vmem>>, vector<16xf32>,
      tpu.vector_store %arg9[%swap3A], %add3A_134 {strides = array<i32>} : memref<1024xf32, #tpu.memory_space<vmem>>, vector<16xf32>,
      %sub3A_136 = arith.subf %gather3A_112, %get3A_129 : vector<16xf32>
      %mul3A_137 = arith.mulf %mul3A_125, %sub3A_136 : vector<16xf32>
      %add3A_138 = arith.addf %get3A_129, %mul3A_137 : vector<16xf32>
      %swap3A_139 = arith.index_cast %mul3A_103 : i32 to index
      %swap3A_140 = tpu.vector_load %arg10[%swap3A_139] {strides = array<i32>} : memref<1024xf32, #tpu.memory_space<vmem>>, vector<16xf32>,
      tpu.vector_store %arg10[%swap3A_139], %add3A_138 {strides = array<i32>} : memref<1024xf32, #tpu.memory_space<vmem>>, vector<16xf32>,
      %sub3A_141 = arith.subf %gather3A_116, %get3A_131 : vector<16xf32>
      %mul3A_142 = arith.mulf %mul3A_125, %sub3A_141 : vector<16xf32>
      %add3A_143 = arith.addf %get3A_131, %mul3A_142 : vector<16xf32>
      %swap3A_144 = arith.index_cast %mul3A_103 : i32 to index
      %swap3A_145 = tpu.vector_load %arg11[%swap3A_144] {strides = array<i32>} : memref<1024xf32, #tpu.memory_space<vmem>>, vector<16xf32>,
      tpu.vector_store %arg11[%swap3A_144], %add3A_143 {strides = array<i32>} : memref<1024xf32, #tpu.memory_space<vmem>>, vector<16xf32>,
    }
    %scan3A_84 = arith.constant 64 : i32
    %dma_start3A_85 = tpu.memref_slice %arg7[%add3A_39] : memref<98304xf32, #tpu.memory_space<hbm>> -> memref<1024xf32, #tpu.memory_space<hbm>>
    %dma_start3A_86 = tpu.memref_slice %arg7[%add3A_39] : memref<98304xf32, #tpu.memory_space<hbm>> -> memref<1024xf32, #tpu.memory_space<hbm>>
    tpu.enqueue_dma source(%arg9 : memref<1024xf32, #tpu.memory_space<vmem>>) target(%dma_start3A_86 : memref<1024xf32, #tpu.memory_space<hbm>>) target_semaphore(%arg15 : memref<!tpu.dma_semaphore, #tpu.memory_space<semaphore_mem>>)
    %add3A_87 = arith.constant 16384 : i32
    %add3A_88 = arith.addi %add3A_39, %add3A_87 : i32
    %dma_start3A_89 = tpu.memref_slice %arg7[%add3A_88] : memref<98304xf32, #tpu.memory_space<hbm>> -> memref<1024xf32, #tpu.memory_space<hbm>>
    %dma_start3A_90 = tpu.memref_slice %arg7[%add3A_88] : memref<98304xf32, #tpu.memory_space<hbm>> -> memref<1024xf32, #tpu.memory_space<hbm>>
    tpu.enqueue_dma source(%arg10 : memref<1024xf32, #tpu.memory_space<vmem>>) target(%dma_start3A_90 : memref<1024xf32, #tpu.memory_space<hbm>>) target_semaphore(%arg15 : memref<!tpu.dma_semaphore, #tpu.memory_space<semaphore_mem>>)
    %add3A_91 = arith.constant 32768 : i32
    %add3A_92 = arith.addi %add3A_39, %add3A_91 : i32
    %dma_start3A_93 = tpu.memref_slice %arg7[%add3A_92] : memref<98304xf32, #tpu.memory_space<hbm>> -> memref<1024xf32, #tpu.memory_space<hbm>>
    %dma_start3A_94 = tpu.memref_slice %arg7[%add3A_92] : memref<98304xf32, #tpu.memory_space<hbm>> -> memref<1024xf32, #tpu.memory_space<hbm>>
    tpu.enqueue_dma source(%arg11 : memref<1024xf32, #tpu.memory_space<vmem>>) target(%dma_start3A_94 : memref<1024xf32, #tpu.memory_space<hbm>>) target_semaphore(%arg15 : memref<!tpu.dma_semaphore, #tpu.memory_space<semaphore_mem>>)
    %dma_wait3A_95 = tpu.memref_slice %arg7[%add3A_39] : memref<98304xf32, #tpu.memory_space<hbm>> -> memref<1024xf32, #tpu.memory_space<hbm>>
    %dma_wait3A_96 = tpu.memref_slice %arg7[%add3A_39] : memref<98304xf32, #tpu.memory_space<hbm>> -> memref<1024xf32, #tpu.memory_space<hbm>>
    tpu.wait_dma2 semaphore(%arg15 : memref<!tpu.dma_semaphore, #tpu.memory_space<semaphore_mem>>) src(%arg9 : memref<1024xf32, #tpu.memory_space<vmem>>) dst(%dma_wait3A_96 : memref<1024xf32, #tpu.memory_space<hbm>>)
    %dma_wait3A_97 = tpu.memref_slice %arg7[%add3A_88] : memref<98304xf32, #tpu.memory_space<hbm>> -> memref<1024xf32, #tpu.memory_space<hbm>>
    %dma_wait3A_98 = tpu.memref_slice %arg7[%add3A_88] : memref<98304xf32, #tpu.memory_space<hbm>> -> memref<1024xf32, #tpu.memory_space<hbm>>
    tpu.wait_dma2 semaphore(%arg15 : memref<!tpu.dma_semaphore, #tpu.memory_space<semaphore_mem>>) src(%arg10 : memref<1024xf32, #tpu.memory_space<vmem>>) dst(%dma_wait3A_98 : memref<1024xf32, #tpu.memory_space<hbm>>)
    %dma_wait3A_99 = tpu.memref_slice %arg7[%add3A_92] : memref<98304xf32, #tpu.memory_space<hbm>> -> memref<1024xf32, #tpu.memory_space<hbm>>
    %dma_wait3A_100 = tpu.memref_slice %arg7[%add3A_92] : memref<98304xf32, #tpu.memory_space<hbm>> -> memref<1024xf32, #tpu.memory_space<hbm>>
    tpu.wait_dma2 semaphore(%arg15 : memref<!tpu.dma_semaphore, #tpu.memory_space<semaphore_mem>>) src(%arg11 : memref<1024xf32, #tpu.memory_space<vmem>>) dst(%dma_wait3A_100 : memref<1024xf32, #tpu.memory_space<hbm>>)
    return
  }
}

module attributes {stable_mosaic.version = 14 : i64} {
  func.func @_nn_body(%arg0: i32, %arg1: memref<1x3x16384xf32, #tpu.memory_space<vmem>>, %arg2: memref<1x2048x3xbf16, #tpu.memory_space<vmem>>, %arg3: memref<1x2048x1xf32, #tpu.memory_space<vmem>>, %arg4: memref<1x1x16384xi32, #tpu.memory_space<vmem>>, %arg5: memref<1x1x16384xf32, #tpu.memory_space<vmem>>, %arg6: memref<1x1x128xf32, #tpu.memory_space<vmem>>) attributes {dimension_semantics = [#tpu.dimension_semantics<arbitrary>], iteration_bounds = array<i64: 2>, scalar_prefetch = 0 : i64, scratch_operands = 0 : i64, tpu.core_type = #tpu.core_type<tc>, window_params = [{transform_indices = @transform_0, window_bounds = array<i64: 1, 3, 16384>}, {transform_indices = @transform_1, window_bounds = array<i64: 1, 2048, 3>}, {transform_indices = @transform_2, window_bounds = array<i64: 1, 2048, 1>}, {transform_indices = @transform_3, window_bounds = array<i64: 1, 1, 16384>}, {transform_indices = @transform_4, window_bounds = array<i64: 1, 1, 16384>}, {transform_indices = @transform_5, window_bounds = array<i64: 1, 1, 128>}]} {
    %get3A = arith.constant 0 : index
    %get3A_0 = arith.constant 0 : index
    %get3A_1 = arith.constant 0 : index
    %get3A_2 = vector.load %arg2[%get3A, %get3A_0, %get3A_1] : memref<1x2048x3xbf16, #tpu.memory_space<vmem>>, vector<1x2048x3xbf16>
    %get3A_3 = vector.shape_cast %get3A_2 : vector<1x2048x3xbf16> to vector<2048x3xbf16>
    %get3A_4 = arith.constant 0 : index
    %get3A_5 = arith.constant 0 : index
    %get3A_6 = arith.constant 0 : index
    %get3A_7 = vector.load %arg3[%get3A_4, %get3A_5, %get3A_6] : memref<1x2048x1xf32, #tpu.memory_space<vmem>>, vector<1x2048x1xf32>
    %get3A_8 = vector.shape_cast %get3A_7 : vector<1x2048x1xf32> to vector<2048x1xf32>
    %scan3A = arith.constant 0xFF800000 : f32
    %scan3A_9 = arith.constant 0 : i32
    %scan3A_10 = arith.constant 32 : i32
    %scan3A_11 = arith.addi %scan3A_9, %scan3A_10 : i32
    %scan3A_12 = arith.constant 1 : i32
    %scan3A_13 = scf.for %scan3A_20 = %scan3A_9 to %scan3A_11 step %scan3A_12 iter_args(%scan3A_21 = %scan3A) -> (f32)  : i32 {
      %mul3A = arith.constant 512 : i32
      %mul3A_22 = arith.muli %scan3A_20, %mul3A : i32
      %get3A_23 = arith.constant 0 : index
      %get3A_24 = arith.constant 0 : index
      %get3A_25 = arith.index_cast %mul3A_22 : i32 to index
      %get3A_26 = vector.load %arg1[%get3A_23, %get3A_24, %get3A_25] : memref<1x3x16384xf32, #tpu.memory_space<vmem>>, vector<1x3x512xf32>
      %get3A_27 = vector.shape_cast %get3A_26 : vector<1x3x512xf32> to vector<3x512xf32>
      %slice3A = vector.extract_strided_slice %get3A_27 {offsets = [0, 0], sizes = [1, 512], strides = [1, 1]} : vector<3x512xf32> to vector<1x512xf32>
      %slice3A_28 = vector.extract_strided_slice %get3A_27 {offsets = [1, 0], sizes = [1, 512], strides = [1, 1]} : vector<3x512xf32> to vector<1x512xf32>
      %slice3A_29 = vector.extract_strided_slice %get3A_27 {offsets = [2, 0], sizes = [1, 512], strides = [1, 1]} : vector<3x512xf32> to vector<1x512xf32>
      %mul3A_30 = arith.mulf %slice3A, %slice3A : vector<1x512xf32>
      %mul3A_31 = arith.mulf %slice3A_28, %slice3A_28 : vector<1x512xf32>
      %add3A = arith.addf %mul3A_30, %mul3A_31 : vector<1x512xf32>
      %mul3A_32 = arith.mulf %slice3A_29, %slice3A_29 : vector<1x512xf32>
      %add3A_33 = arith.addf %add3A, %mul3A_32 : vector<1x512xf32>
      %convert_element_type3A = arith.truncf %get3A_27 : vector<3x512xf32> to vector<3x512xbf16>
      %dot_general3A = arith.constant dense<0.000000e+00> : vector<2048x512xf32>
      %dot_general3A_34 = tpu.matmul %get3A_3, %convert_element_type3A, %dot_general3A {dimension_numbers = #tpu.dot_dimension_numbers<[1], [0], [0], [1], [0, 0, 1, 1], [], []>, transpose_lhs_hint = false} : vector<2048x3xbf16>, vector<3x512xbf16>, vector<2048x512xf32> -> vector<2048x512xf32>
      %add3A_35 = vector.broadcast %add3A_33 : vector<1x512xf32> to vector<2048x512xf32>
      %add3A_36 = vector.broadcast %get3A_8 : vector<2048x1xf32> to vector<2048x512xf32>
      %add3A_37 = arith.addf %add3A_35, %add3A_36 : vector<2048x512xf32>
      %sub3A = arith.subf %add3A_37, %dot_general3A_34 : vector<2048x512xf32>
      %max3A = arith.constant 9.99999996E-13 : f32
      %max3A_38 = vector.broadcast %max3A : f32 to vector<2048x512xf32>
      %max3A_39 = arith.maximumf %sub3A, %max3A_38 : vector<2048x512xf32>
      %reduce_min3A = arith.constant dense<0x7F800000> : vector<512xf32>
      %reduce_min3A_40 = vector.multi_reduction <minimumf>, %max3A_39, %reduce_min3A [0] : vector<2048x512xf32> to vector<512xf32>
      %argmin3A = tpu.reduce_index %max3A_39 {axis = 0 : i32, kind = #tpu.reduction_kind<arg_min>} : vector<2048x512xf32> -> vector<512xi32>
      %sqrt3A_41 = math.sqrt %reduce_min3A_40 : vector<512xf32>
      %swap3A_42 = arith.constant 0 : index
      %swap3A_43 = arith.constant 0 : index
      %swap3A_44 = arith.index_cast %mul3A_22 : i32 to index
      %swap3A_45 = vector.load %arg5[%swap3A_42, %swap3A_43, %swap3A_44] : memref<1x1x16384xf32, #tpu.memory_space<vmem>>, vector<1x1x512xf32>
      %swap3A_46 = vector.shape_cast %swap3A_45 : vector<1x1x512xf32> to vector<512xf32>
      %swap3A_47 = vector.shape_cast %sqrt3A_41 : vector<512xf32> to vector<1x1x512xf32>
      tpu.vector_store %arg5[%swap3A_42, %swap3A_43, %swap3A_44], %swap3A_47 {strides = array<i32>} : memref<1x1x16384xf32, #tpu.memory_space<vmem>>, vector<1x1x512xf32>,
      %swap3A_48 = arith.constant 0 : index
      %swap3A_49 = arith.constant 0 : index
      %swap3A_50 = arith.index_cast %mul3A_22 : i32 to index
      %swap3A_51 = vector.load %arg4[%swap3A_48, %swap3A_49, %swap3A_50] : memref<1x1x16384xi32, #tpu.memory_space<vmem>>, vector<1x1x512xi32>
      %swap3A_52 = vector.shape_cast %swap3A_51 : vector<1x1x512xi32> to vector<512xi32>
      %swap3A_53 = vector.shape_cast %argmin3A : vector<512xi32> to vector<1x1x512xi32>
      tpu.vector_store %arg4[%swap3A_48, %swap3A_49, %swap3A_50], %swap3A_53 {strides = array<i32>} : memref<1x1x16384xi32, #tpu.memory_space<vmem>>, vector<1x1x512xi32>,
      %reduce_max3A = vector.shape_cast %reduce_min3A_40 : vector<512xf32> to vector<1x512xf32>
      %reduce_max3A_54 = arith.constant dense<0xFF800000> : vector<1xf32>
      %reduce_max3A_55 = vector.multi_reduction <maximumf>, %reduce_max3A, %reduce_max3A_54 [1] : vector<1x512xf32> to vector<1xf32>
      %reduce_max3A_56 = vector.shape_cast %reduce_max3A_55 : vector<1xf32> to vector<1x1xf32>
      %reduce_max3A_57 = vector.extract %reduce_max3A_56[0, 0] : f32 from vector<1x1xf32>
      %max3A_58 = arith.maximumf %scan3A_21, %reduce_max3A_57 : f32
      scf.yield %max3A_58 : f32
    }
    %scan3A_14 = arith.constant 32 : i32
    %sqrt3A = math.sqrt %scan3A_13 : f32
    %broadcast_in_dim3A = vector.broadcast %sqrt3A : f32 to vector<128xf32>
    %swap3A = arith.constant 0 : index
    %swap3A_15 = arith.constant 0 : index
    %swap3A_16 = arith.constant 0 : index
    %swap3A_17 = vector.load %arg6[%swap3A, %swap3A_15, %swap3A_16] : memref<1x1x128xf32, #tpu.memory_space<vmem>>, vector<1x1x128xf32>
    %swap3A_18 = vector.shape_cast %swap3A_17 : vector<1x1x128xf32> to vector<128xf32>
    %swap3A_19 = vector.shape_cast %broadcast_in_dim3A : vector<128xf32> to vector<1x1x128xf32>
    tpu.vector_store %arg6[%swap3A, %swap3A_15, %swap3A_16], %swap3A_19 {strides = array<i32>} : memref<1x1x128xf32, #tpu.memory_space<vmem>>, vector<1x1x128xf32>,
    return
  }
  func.func @transform_0(%arg0: i32) -> (i32, i32, i32) {
    %c0_i32 = arith.constant 0 : i32
    %c0_i32_0 = arith.constant 0 : i32
    %c0_i32_1 = arith.constant 0 : i32
    return %arg0, %c0_i32, %c0_i32_0 : i32, i32, i32
  }
  func.func @transform_1(%arg0: i32) -> (i32, i32, i32) {
    %c0_i32 = arith.constant 0 : i32
    %c0_i32_0 = arith.constant 0 : i32
    %c0_i32_1 = arith.constant 0 : i32
    return %arg0, %c0_i32, %c0_i32_0 : i32, i32, i32
  }
  func.func @transform_2(%arg0: i32) -> (i32, i32, i32) {
    %c0_i32 = arith.constant 0 : i32
    %c0_i32_0 = arith.constant 0 : i32
    %c0_i32_1 = arith.constant 0 : i32
    return %arg0, %c0_i32, %c0_i32_0 : i32, i32, i32
  }
  func.func @transform_3(%arg0: i32) -> (i32, i32, i32) {
    %c0_i32 = arith.constant 0 : i32
    %c0_i32_0 = arith.constant 0 : i32
    %c0_i32_1 = arith.constant 0 : i32
    return %arg0, %c0_i32, %c0_i32_0 : i32, i32, i32
  }
  func.func @transform_4(%arg0: i32) -> (i32, i32, i32) {
    %c0_i32 = arith.constant 0 : i32
    %c0_i32_0 = arith.constant 0 : i32
    %c0_i32_1 = arith.constant 0 : i32
    return %arg0, %c0_i32, %c0_i32_0 : i32, i32, i32
  }
  func.func @transform_5(%arg0: i32) -> (i32, i32, i32) {
    %c0_i32 = arith.constant 0 : i32
    %c0_i32_0 = arith.constant 0 : i32
    %c0_i32_1 = arith.constant 0 : i32
    return %arg0, %c0_i32, %c0_i32_0 : i32, i32, i32
  }
}

</mosaic_0001>

<sc_bundles>
// kernel: kernel.10.cloned.1.call-start
scs
__scs_entry_jumppad:
0x0: {  	(pc) =	sbr.rel $0x88, $3  }
0x1: {  	(tag) =	ssettag $0x0;
	lr =	simm.s32 $0x1  }
0x2: {  	[smem:$0x3F9F] =	sst lr;
	_ =	strace $0xD0000000  }
0x3: {  	_ = 	snop  }
0x4: {  	_ = 	snop  }
0x5: {  	_ = 	snop  }
0x6: {  	_ = 	snop  }
0x7: {  	_ = 	snop  }
__scs_overlays_trampoline_lowered:
0x8: {  	[smem:$0x3FAE] =	sst s0  }
0x9: {  	[smem:$0x3FAF] =	sst s1  }
0xa: {  	[smem:$0x3FB0] =	sst s2  }
0xb: {  	[smem:$0x3FB1] =	sst s3  }
0xc: {  	[smem:$0x3FB2] =	sst s4  }
0xd: {  	[smem:$0x3FB3] =	sst s5  }
0xe: {  	[smem:$0x3FB4] =	sst s6  }
0xf: {  	[smem:$0x3FB5] =	sst s7  }
0x10: {  	[smem:$0x3FB6] =	sst s8  }
0x11: {  	[smem:$0x3FB7] =	sst s9;
	s0 =	simm.s32 @!p0 $0x0  }
0x12: {  	s1 =	sld [smem:$0x3F9D];
	s0 =	simm.s32 @p0 $0x1  }
0x13: {  	[smem:$0x3FB8] =	sst s0;
	s0 =	simm.s32 @!p1 $0x0  }
0x14: {  	s2 =	sld [smem:$0x3F9C];
	s0 =	simm.s32 @p1 $0x1  }
0x15: {  	[smem:$0x3FB9] =	sst s0;
	s0 =	simm.s32 @!p2 $0x0  }
0x16: {  	s3 =	sld [smem:$0x3FDB];
	s0 =	simm.s32 @p2 $0x1  }
0x17: {  	s4 =	simm.s32 $0x1BF5;
	[smem:$0x3FBB] =	sst s0  }
0x18: {  	s0 =	sld [smem:$0x3F9E];
	_ =	swait.ge [sflag:s4], $0x0  }
0x19: {  	s7 =	sld [smem:$0x3F9F]  }
0x1a: {  	s8 =	sadd.s32 $0xFFFFE003, lr  }
0x1b: {  	s9 =	sadd.s32 $0xFFFFFEF7, lr;
	s5 =	simm.s32 $0xFFFFFFFF;
	p2 =	slt.u32 s8, $0xFFFFF086  }
0x1c: {  	p1 =	slt.u32 s9, $0xF7A;
	s5 =	simm.s32 @!p2 $0x0  }
0x1d: {  	s5 =	simm.s32 @p1 $0x1;
	p0 =	seq.s32 s7, s2  }
0x1e: {  	s7 =	smul.u32 @!p0 $0xF7A, s2;
	p2 =	seq.s32 @!p0 s5, $0x0  }
0x1f: {  	s9 =	smul.u32 $0xF7A, s1;
	s8 =	simm.s32 @!p0 $0x1BF5;
	p2 =	por !p2, p0  }
0x20: {  	[sflag:s8] =	ssyncset.s32 @!p0 $0xFFFFF086;
	s6 =	sadd.s32 @!p0 s3, s7;
	s7 =	simm.s32 @!p0 $0x108  }
0x21: {  	s3 =	sadd.s32 s3, s9;
	s6 =	sadd.s32 @!p0 $0x88, s6;
	s7 =	simm.s32 @p2 $0x1082  }
0x22: {  	[simem:s7], [sflag:s8] =	dma.local @!p0 [hbm:s6], $0xF7A  }
0x23: {  	s9 =	sor.u32 $0xD0000000, s2;
	s6 =	simm.s32 $0x108;
	_ =	swait.ge @!p0 [sflag:s8], $0x0  }
0x24: {  	s3 =	sadd.s32 $0x88, s3;
	s6 =	simm.s32 @!p1 $0x1082;
	[sflag:s4] =	ssyncset.s32 $0xFFFFF086  }
0x25: {  	[simem:s6], [sflag:s4] =	dma.local [hbm:s3], $0xF7A  }
0x26: {  	[smem:$0x3F9F] =	sst s1;
	(tag) =	ssettag s2;
	_ =	strace s9  }
0x27: {  	s1 =	sld [smem:$0x3FAF]  }
0x28: {  	s2 =	sld [smem:$0x3FB0]  }
0x29: {  	s4 =	sld [smem:$0x3FB2]  }
0x2a: {  	p0 =	seq.s32 s5, $0x0;
	s5 =	sld [smem:$0x3FB3]  }
0x2b: {  	s6 =	sld [smem:$0x3FB4]  }
0x2c: {  	s7 =	sld [smem:$0x3FB5]  }
0x2d: {  	s3 =	simm.s32 $0x108;
	s8 =	sld [smem:$0x3FB6]  }
0x2e: {  	s3 =	simm.s32 @!p0 $0x1082;
	s9 =	sld [smem:$0x3FB7]  }
0x2f: {  	lr =	sadd.s32 s0, s3;
	s0 =	sld [smem:$0x3FAE]  }
0x30: {  	s3 =	sld [smem:$0x3FB1]  }
0x31: {  	[smem:$0x3FBA] =	sst s10  }
0x32: {  	s10 =	sld [smem:$0x3FB8];
	_ =	sdelay $0x3  }
0x33: {  	p0 =	seq.s32 s10, $0x1;
	s10 =	sld [smem:$0x3FBA];
	_ =	sdelay $0x3  }
0x34: {  	[smem:$0x3FBA] =	sst s10  }
0x35: {  	s10 =	sld [smem:$0x3FB9];
	_ =	sdelay $0x3  }
0x36: {  	p1 =	seq.s32 s10, $0x1;
	s10 =	sld [smem:$0x3FBA];
	_ =	sdelay $0x3  }
0x37: {  	[smem:$0x3FBA] =	sst s10  }
0x38: {  	s10 =	sld [smem:$0x3FBB]  }
0x39: {  	_ = 	snop;
	(pc) =	sbr.ind lr, $3  }
0x3a: {  	_ = 	snop  }
0x3b: {  	_ = 	snop  }
0x3c: {  	p2 =	seq.s32 s10, $0x1;
	s10 =	sld [smem:$0x3FBA]  }
0x3d: {  	_ =	shalt  }
0x3e: {  	_ =	shalt  }
0x3f: {  	_ =	shalt  }
0x40: {  	_ =	shalt  }
0x41: {  	_ =	shalt  }
0x42: {  	_ =	shalt  }
0x43: {  	_ =	shalt  }
0x44: {  	_ =	shalt  }
0x45: {  	_ =	shalt  }
0x46: {  	_ =	shalt  }
0x47: {  	_ =	shalt  }
0x48: {  	_ =	shalt  }
0x49: {  	_ =	shalt  }
0x4a: {  	_ =	shalt  }
0x4b: {  	_ =	shalt  }
0x4c: {  	_ =	shalt  }
0x4d: {  	_ =	shalt  }
0x4e: {  	_ =	shalt  }
0x4f: {  	_ =	shalt  }
0x50: {  	_ =	shalt  }
0x51: {  	_ =	shalt  }
0x52: {  	_ =	shalt  }
0x53: {  	_ =	shalt  }
0x54: {  	_ =	shalt  }
0x55: {  	_ =	shalt  }
0x56: {  	_ =	shalt  }
0x57: {  	_ =	shalt  }
0x58: {  	_ =	shalt  }
0x59: {  	_ =	shalt  }
0x5a: {  	_ =	shalt  }
0x5b: {  	_ =	shalt  }
0x5c: {  	_ =	shalt  }
0x5d: {  	_ =	shalt  }
0x5e: {  	_ =	shalt  }
0x5f: {  	_ =	shalt  }
0x60: {  	_ =	shalt  }
0x61: {  	_ =	shalt  }
0x62: {  	_ =	shalt  }
0x63: {  	_ =	shalt  }
0x64: {  	_ =	shalt  }
0x65: {  	_ =	shalt  }
0x66: {  	_ =	shalt  }
0x67: {  	_ =	shalt  }
0x68: {  	_ =	shalt  }
0x69: {  	_ =	shalt  }
0x6a: {  	_ =	shalt  }
0x6b: {  	_ =	shalt  }
0x6c: {  	_ =	shalt  }
0x6d: {  	_ =	shalt  }
0x6e: {  	_ =	shalt  }
0x6f: {  	_ =	shalt  }
0x70: {  	_ =	shalt  }
0x71: {  	_ =	shalt  }
0x72: {  	_ =	shalt  }
0x73: {  	_ =	shalt  }
0x74: {  	_ =	shalt  }
0x75: {  	_ =	shalt  }
0x76: {  	_ =	shalt  }
0x77: {  	_ =	shalt  }
0x78: {  	_ =	shalt  }
0x79: {  	_ =	shalt  }
0x7a: {  	_ =	shalt  }
0x7b: {  	_ =	shalt  }
0x7c: {  	_ =	shalt  }
0x7d: {  	_ =	shalt  }
0x7e: {  	_ =	shalt  }
0x7f: {  	_ =	shalt  }
0x80: {  	_ =	shalt  }
0x81: {  	_ =	shalt  }
0x82: {  	_ =	shalt  }
0x83: {  	_ =	shalt  }
0x84: {  	_ =	shalt  }
0x85: {  	_ =	shalt  }
0x86: {  	_ =	shalt  }
0x87: {  	_ =	shalt  }
.Lfunc_end0:
.L_simem_size_0:
called_computation_lowered:
.L_overlay_start_0:
0x88: {  	s2 =	sld [smem:$0x3FD9]  }
0x89: {  	s3 =	sld [smem:$0x3FFE];
	_ =	sdelay $0x1  }
0x8a: {  	s1 =	srdreg.scid  }
0x8b: {  	s0 =	sand.u32 $0x1, s1  }
0x8c: {  	s17 =	sshll.u32 s0, $0xA;
	s2 =	sadd.s32 s3, s2  }
0x8d: {  	s2 =	sadd.s32 s2, s17  }
0x8e: {  	[smem:$0x3FC6] =	sst s2  }
0x8f: {  	_ = 	snop  }
0x90: {  	s2 =	sld [smem:$0x3FD0];
	(tm) =	ssettm $0x1  }
0x91: {  	s18 =	sld [smem:$0x3FFB];
	_ =	sdelay $0x3  }
0x92: {  	_ =	strace s18  }
0x93: {  	s3 =	sld [smem:$0x3FFC];
	_ =	sdelay $0x3  }
0x94: {  	_ =	strace s3  }
0x95: {  	s3 =	sld [smem:$0x3FFD];
	_ =	sdelay $0x3  }
0x96: {  	_ =	strace s3  }
0x97: {  	_ =	strace $0x8FFFFFFF  }
0x98: {  	s19 =	sld [smem:$0x3FDB];
	_ =	sdelay $0x1  }
0x99: {  	s4 =	simm.s32 $_scs_section_size  }
0x9a: {  	s5 =	simm.s32 $_size__tile_overlayer_lowered;
	s6 =	simm.s32 $_tile_overlayer_lowered  }
0x9b: {  	s22 =	simm.s32 $0x1BFF;
	s21 =	sshll.u32 s6, $0x1;
	s3 =	sadd.s32 s4, s19  }
0x9c: {  	s7 =	simm.s32 $0x0;
	s20 =	sshll.u32 s5, $0x1;
	s5 =	sadd.s32 s21, s3  }
0x9d: {  	[timem:s7], [sflag:s22] =	dma.local [hbm:s5], s20  }
0x9e: {  	_ =	swait.ge [sflag:s22], s20  }
0x9f: {  	s4 =	ssub.s32 $0x0, s20;
	[sflag:s22] =	ssyncset.done $0x0  }
0xa0: {  	[sflag:s22] =	ssyncadd.s32 s4;
	_ =	sdelay $0x1  }
0xa1: {  	s23 =	simm.s32 $0x1B8B  }
0xa2: {  	_ =	swait.ge [sflag:s23], $0x1  }
0xa3: {  	[sflag:s23] =	ssyncset.done $0x0  }
0xa4: {  	s25 =	simm.s32 $0x1B8E;
	s24 =	sld [smem:$0x3FFE];
	[sflag:s23] =	ssyncadd.s32 $0xFFFFFFFF  }
0xa5: {  	s26 =	simm.s32 $execute0_lowered;
	[smem:$0x3FD2] =	sst s25  }
0xa6: {  	s5 =	sshll.u32 s26, $0x1;
	_ =	strace $0x80000046;
	[dreg:$0x1] =	wrdreg $0xFFFFFFFF  }
0xa7: {  	s28 =	simm.s32 $_size_execute0_lowered;
	s3 =	sadd.s32 s3, s5;
	[dreg:$0x0] =	wrdreg $0x0  }
0xa8: {  	s5 =	sshll.u32 s28, $0x1;
	[dreg:$0x2] =	wrdreg s3  }
0xa9: {  	[dreg:$0x3] =	wrdreg s5  }
0xaa: {  	[dreg:$0x4] =	wrdreg $0xC0  }
0xab: {  	_ =	task [dreg:s7], $0x5FFFF  }
0xac: {  	[dreg:$0x1] =	wrdreg $0xFFFFFFFF  }
0xad: {  	[dreg:$0x0] =	wrdreg $0x60  }
0xae: {  	[dreg:$0x2] =	wrdreg s2  }
0xaf: {  	[dreg:$0x3] =	wrdreg s24  }
0xb0: {  	[dreg:$0x4] =	wrdreg $0x9  }
0xb1: {  	_ =	task.clear_ibuf [dreg:s7], $0x5FFFF;
	_ =	strace $0x90000046  }
0xb2: {  	s29 =	simm.s32 $0x9;
	_ =	strace $0x80000048  }
0xb3: {  	_ =	swait.ge [sflag:s29], $0x1  }
0xb4: {  	[sflag:s29] =	ssyncadd.s32 $0xFFFFFFFF  }
0xb5: {  	_ =	strace $0x90000048  }
0xb6: {  	_ =	sfence  }
0xb7: {  	s30 =	sld [smem:$0x0];
	_ =	sdelay $0x2  }
0xb8: {  	s31 =	sshll.u32 s1, $0xD;
	s1 =	sshrl.u32 s1, $0x2  }
0xb9: {  	s3 =	sand.u32 $0x4000, s31;
	s1 =	sadd.s32 s1, s30  }
0xba: {  	s0 =	sor.u32 s3, s0;
	s1 =	sshll.u32 s1, $0x11  }
0xbb: {  	s0 =	sor.u32 s1, s0  }
0xbc: {  	s0 =	sadd.s32 $0x8F2B, s0  }
0xbd: {  	[sflag:s0] =	ssyncadd.remote.s32 $0x1  }
0xbe: {  	_ =	sfence.sel $0xFFFF  }
0xbf: {  	[dreg:$0x0] =	wrdreg $0xFFFFFFFF;
	(pc) =	sbr.abs _section_cstart, $3  }
0xc0: {  	[dreg:$0x1] =	wrdreg $0xFFFFFFFF  }
0xc1: {  	_ =	task.clear_ibuf [dreg:s7], $0x2FFFF;
	_ =	strace $0x9FFFFFFF  }
0xc2: {  	(tm) =	ssettm $0x7FFFFFFF  }
0xc3: {  	_ =	shalt  }
tec
execute0_lowered:
.L_overlay_start_1:
0x0: {  	(tag) =	ssettag $0x1  }
0x1: {  	s6 =	rddreg [dreg:$0x0]  }
0x2: {  	s3 =	rddreg [dreg:$0x1]  }
0x3: {  	s0 =	rddreg [dreg:$0x2]  }
0x4: {  	s1 =	stileid.u32;
	s2 =	simm.s32 $0x0;
	s5 =	srdreg.scid  }
0x5: {  	s16 =	simm.s32 $0x2000;
	s17 =	simm.s32 $0x2400;
	s18 =	simm.s32 $0x2800  }
0x6: {  	s19 =	simm.s32 $0x2C00;
	s20 =	simm.s32 $0x1;
	s21 =	simm.s32 $0x0  }
0x7: {  	s4 =	sshrl.u32 s1, $0x3;
	s5 =	sand.u32 $0x1, s5;
	s8 =	sshll.u32 s1, $0x1  }
0x8: {  	[smem:$0x7FF] =	sst s2;
	s12 =	sadd.s32 $0x5800, s3;
	s7 =	smul.u32 $0x300, s4  }
0x9: {  	s8 =	sor.u32 s5, s8;
	_ =	strace $0x80000047;
	s10 =	smul.u32 $0xC000, s4  }
0xa: {  	s4 =	sshll.u32 s4, $0x4;
	s5 =	ssub.s32 $0x2, s5;
	s9 =	sshll.u32 s8, $0x7  }
0xb: {  	s8 =	sshll.u32 s8, $0xA;
	s11 =	sadd.s32 s4, s3;
	s31 =	sshrl.u32 s5, $0x1  }
0xc: {  	s7 =	sadd.s32 s7, s3;
	s9 =	sadd.s32 s9, s3;
	s8 =	sand.u32 $0x3C00, s8  }
0xd: {  	s13 =	ssub.s32 s5, s31;
	s8 =	sor.u32 s10, s8;
	s3 =	sadd.s32 $0x3000, s7  }
0xe: {  	s7 =	sadd.s32 $0x3600, s9;
	s13 =	smax.u32 s13, $0x1;
	s10 =	sshrl.u32 s8, $0x3  }
0xf: {  	s8 =	sadd.s32 $0x4600, s9;
	s9 =	sadd.s32 $0x5600, s11;
	s14 =	sadd.s32 $0x800, s10  }
0x10: {  	s15 =	sadd.s32 $0x1000, s10;
	s4 =	sadd.s32 s6, s10;
	s10 =	sadd.s32 s12, s10  }
0x11: {  	s5 =	sadd.s32 s6, s14;
	s6 =	sadd.s32 s6, s15;
	s11 =	sadd.s32 s12, s14  }
0x12: {  	s12 =	sadd.s32 s12, s15;
	s14 =	simm.s32 $0x1800;
	s15 =	simm.s32 $0x1C00  }
.LBB2_1:
0x13: {  	[tilespmem:s2], [sflag:$0x1] =	stream.linear.gather [hbm4b:s3+s2], $0x1800, $0x38;
	[tilespmem:$0x2C80] =	vst v63  }
0x14: {  	_ = 	snop  }
0x15: {  	[tilespmem:s14], [sflag:$0x1] =	stream.linear.gather [hbm4b:s4+s2], $0x400, $0x38;
	[tilespmem:$0x2C80] =	vst v63  }
0x16: {  	_ = 	snop  }
0x17: {  	[tilespmem:s15], [sflag:$0x1] =	stream.linear.gather [hbm4b:s5+s2], $0x400, $0x38;
	[tilespmem:$0x2C80] =	vst v63  }
0x18: {  	_ = 	snop  }
0x19: {  	[tilespmem:s16], [sflag:$0x1] =	stream.linear.gather [hbm4b:s6+s2], $0x400, $0x38;
	[tilespmem:$0x2C80] =	vst v63  }
0x1a: {  	_ = 	snop  }
0x1b: {  	[tilespmem:s17], [sflag:$0x1] =	stream.linear.gather [hbm4b:s7+s2], $0x400, $0x38;
	[tilespmem:$0x2C80] =	vst v63  }
0x1c: {  	_ = 	snop  }
0x1d: {  	[tilespmem:s18], [sflag:$0x1] =	stream.linear.gather [hbm4b:s8+s2], $0x400, $0x38;
	[tilespmem:$0x2C80] =	vst v63  }
0x1e: {  	_ = 	snop  }
0x1f: {  	[tilespmem:s19], [sflag:$0x1] =	stream.linear.gather [hbm4b:s9+s2], $0x10, $0x38;
	[tilespmem:$0x2C80] =	vst v63  }
0x20: {  	_ =	swait.ge [sflag:s20], $0x1800  }
0x21: {  	[sflag:s20] =	ssyncset.done $0x0  }
0x22: {  	[sflag:s20] =	ssyncadd.s32 $0xFFFFE800  }
0x23: {  	_ =	swait.ge [sflag:s20], $0x400  }
0x24: {  	[sflag:s20] =	ssyncset.done $0x0  }
0x25: {  	[sflag:s20] =	ssyncadd.s32 $0xFFFFFC00  }
0x26: {  	_ =	swait.ge [sflag:s20], $0x400  }
0x27: {  	[sflag:s20] =	ssyncset.done $0x0  }
0x28: {  	[sflag:s20] =	ssyncadd.s32 $0xFFFFFC00  }
0x29: {  	_ =	swait.ge [sflag:s20], $0x400  }
0x2a: {  	[sflag:s20] =	ssyncset.done $0x0  }
0x2b: {  	[sflag:s20] =	ssyncadd.s32 $0xFFFFFC00  }
0x2c: {  	_ =	swait.ge [sflag:s20], $0x400  }
0x2d: {  	[sflag:s20] =	ssyncset.done $0x0  }
0x2e: {  	[sflag:s20] =	ssyncadd.s32 $0xFFFFFC00  }
0x2f: {  	_ =	swait.ge [sflag:s20], $0x400  }
0x30: {  	[sflag:s20] =	ssyncset.done $0x0  }
0x31: {  	[sflag:s20] =	ssyncadd.s32 $0xFFFFFC00  }
0x32: {  	_ =	swait.ge [sflag:s20], $0x10  }
0x33: {  	[sflag:s20] =	ssyncset.done $0x0  }
0x34: {  	[sflag:s20] =	ssyncadd.s32 $0xFFFFFFF0  }
0x35: {  	v0 =	vld [tilespmem:$0x2C00];
	_ =	sdelay $0x3  }
0x36: {  	s22 =	simm.s32 $0x0  }
0x37: {  	v1 =	vld [tilespmem:s22+$0x2400];
	v0 =	vadd.f32 $9.999999970e-07, v0;
	_ =	sdelay $0x1  }
0x38: {  	(erf) = vrcp.f32 v0;
	_ =	sdelay $0x2  }
0x39: {  	v0 =	vmul.u32 $0x3, v1;
	_ =	sdelay $0x1  }
0x3a: {  	v2 =	vld [tilespmem:s22+$0x2800];
	v1 =	vadd.s32 $0x1, v0  }
0x3b: {  	v4 =	vld [tilespmem:s22+$0x1800];
	v3 =	vadd.s32 $0x2, v0  }
0x3c: {  	v5 =	vld [tilespmem:s22+$0x1C00]  }
0x3d: {  	v7 =	vld [tilespmem:s22+$0x2000]  }
0x3e: {  	v6 =	vld.idx.msk [tilespmem:v0+s2+$0x0], $0xffff;
	v0 =	vpop (erf)  }
0x3f: {  	v1 =	vld.idx.msk [tilespmem:v1+s2+$0x0], $0xffff;
	v2 =	vmul.f32 v2, v0  }
0x40: {  	s23 =	simm.s32 $0x10;
	v3 =	vld.idx.msk [tilespmem:v3+s2+$0x0], $0xffff  }
0x41: {  	v8 =	vld [tilespmem:s23+$0x2400];
	v2 =	vsub.f32 $2.000000000e+00, v2  }
0x42: {  	v9 =	vld [tilespmem:s23+$0x2800]  }
0x43: {  	v6 =	vsub.f32 v6, v4;
	v2 =	vmul.f32 $1.000000010e-01, v2  }
0x44: {  	v10 =	vsub.f32 v1, v5  }
0x45: {  	v3 =	vsub.f32 v3, v7;
	v6 =	vmul.f32 v2, v6  }
0x46: {  	v1 =	vmul.u32 $0x3, v8;
	v8 =	vmul.f32 v10, v2  }
0x47: {  	v9 =	vmul.f32 v9, v0;
	v63 =	vmul.f32 v3, v2;
	v6 =	vadd.f32 v6, v4  }
0x48: {  	v3 =	vadd.s32 $0x1, v1;
	v5 =	vadd.f32 v8, v5  }
0x49: {  	s24 =	simm.s32 $0x80;
	v2 =	vsub.f32 $2.000000000e+00, v9;
	v4 =	vadd.s32 $0x2, v1;
	[tilespmem:s22+$0x1800] =	vst v6;
	v6 =	vadd.f32 v63, v7  }
.LBB2_2:
0x4a: {  	p0 =	sne.s32 s24, $0xFC0;
	v7 =	vld [tilespmem:s23+$0x1800];
	[tilespmem:s22+$0x1C00] =	vst v5;
	s25 =	smov.u32 s24;
	s24 =	sadd.s32 $0x40, s24  }
0x4b: {  	v5 =	vld [tilespmem:s23+$0x1C00];
	[tilespmem:s22+$0x2000] =	vst v6;
	s22 =	smov.u32 s23  }
0x4c: {  	v1 =	vld.idx.msk [tilespmem:v1+s2+$0x0], $0xffff  }
0x4d: {  	v3 =	vld.idx.msk [tilespmem:v3+s2+$0x0], $0xffff  }
0x4e: {  	v4 =	vld.idx.msk [tilespmem:v4+s2+$0x0], $0xffff  }
0x4f: {  	s23 =	sshra.s32 s25, $0x2;
	v6 =	vld [tilespmem:s22+$0x2000]  }
0x50: {  	v8 =	vld [tilespmem:s23+$0x2400]  }
0x51: {  	v9 =	vld [tilespmem:s23+$0x2800]  }
0x52: {  	v2 =	vmul.f32 $1.000000010e-01, v2;
	v1 =	vsub.f32 v1, v7  }
0x53: {  	v3 =	vsub.f32 v3, v5  }
.Ltmp0:
0x54: {  	v10 =	vmul.f32 v2, v1;
	v4 =	vsub.f32 v4, v6;
	(pc) =	sbr.rel @p0 .LBB2_2-.Ltmp0, $4  }
0x55: {  	v1 =	vmul.u32 $0x3, v8;
	v8 =	vmul.f32 v3, v2  }
0x56: {  	v7 =	vadd.f32 v10, v7;
	v9 =	vmul.f32 v9, v0;
	v10 =	vmul.f32 v4, v2  }
0x57: {  	v3 =	vadd.s32 $0x1, v1;
	v4 =	vadd.s32 $0x2, v1;
	v5 =	vadd.f32 v8, v5  }
0x58: {  	v2 =	vsub.f32 $2.000000000e+00, v9;
	[tilespmem:s22+$0x1800] =	vst v7;
	v6 =	vadd.f32 v10, v6  }
0x59: {  	_ =	sdelay $0x1  }
0x5a: {  	v0 =	vld [tilespmem:s23+$0x1800];
	[tilespmem:s22+$0x1C00] =	vst v5  }
0x5b: {  	v5 =	vld [tilespmem:s23+$0x1C00];
	[tilespmem:s22+$0x2000] =	vst v6  }
0x5c: {  	v1 =	vld.idx.msk [tilespmem:v1+s2+$0x0], $0xffff  }
0x5d: {  	v3 =	vld.idx.msk [tilespmem:v3+s2+$0x0], $0xffff  }
0x5e: {  	v4 =	vld.idx.msk [tilespmem:v4+s2+$0x0], $0xffff  }
0x5f: {  	v6 =	vld [tilespmem:s23+$0x2000];
	_ =	sdelay $0x2  }
0x60: {  	v2 =	vmul.f32 $1.000000010e-01, v2;
	v1 =	vsub.f32 v1, v0  }
0x61: {  	v3 =	vsub.f32 v3, v5  }
0x62: {  	v4 =	vsub.f32 v4, v6;
	v1 =	vmul.f32 v2, v1  }
0x63: {  	v3 =	vmul.f32 v3, v2  }
0x64: {  	v61 =	vmul.f32 v4, v2;
	v0 =	vadd.f32 v1, v0  }
0x65: {  	v62 =	vadd.f32 v3, v5  }
0x66: {  	v63 =	vadd.f32 v61, v6;
	[tilespmem:s23+$0x1800] =	vst v0  }
0x67: {  	[tilespmem:s23+$0x1C00] =	vst v62  }
0x68: {  	[tilespmem:s23+$0x2000] =	vst v63  }
0x69: {  	[hbm4b:s10+s2] =	stream.linear.scatter [tilespmem:s14], [sflag:$0x1], $0x400, $0x38;
	[tilespmem:$0x2C80] =	vst v63  }
0x6a: {  	_ = 	snop  }
0x6b: {  	[hbm4b:s11+s2] =	stream.linear.scatter [tilespmem:s15], [sflag:$0x1], $0x400, $0x38;
	[tilespmem:$0x2C80] =	vst v63  }
0x6c: {  	_ = 	snop  }
0x6d: {  	[hbm4b:s12+s2] =	stream.linear.scatter [tilespmem:s16], [sflag:$0x1], $0x400, $0x38;
	[tilespmem:$0x2C80] =	vst v63  }
0x6e: {  	_ =	swait.ge [sflag:s20], $0x400  }
0x6f: {  	[sflag:s20] =	ssyncset.done $0x0  }
0x70: {  	s21 =	sadd.s32 $0x1, s21;
	[sflag:s20] =	ssyncadd.s32 $0xFFFFFC00  }
0x71: {  	p0 =	sne.s32 s21, s13;
	_ =	swait.ge [sflag:s20], $0x400  }
.Ltmp1:
0x72: {  	[sflag:s20] =	ssyncset.done $0x0;
	(pc) =	sbr.rel @p0 .LBB2_1-.Ltmp1, $4  }
0x73: {  	[sflag:s20] =	ssyncadd.s32 $0xFFFFFC00  }
0x74: {  	_ =	swait.ge [sflag:s20], $0x400  }
0x75: {  	[sflag:s20] =	ssyncset.done $0x0  }
0x76: {  	[sflag:s20] =	ssyncadd.s32 $0xFFFFFC00  }
0x77: {  	_ =	sfence.sel $0x180000  }
0x78: {  	[bflag:$0x0] =	sbarrier.arrive $0xFFFF  }
0x79: {  	p0 =	sne.s32 s1, $0x0;
	_ =	strace $0x90000047  }
0x7a: {  	s0 =	sadd.s32 @!p0 $0x100000, s0;
	[bflag:$0x2] =	sbarrier.arrive $0xFFFF  }
0x7b: {  	[sflag:s0] =	ssyncadd.tile.s32 @!p0 $0x1;
	_ =	shalt  }
.Lfunc_end2:
_tile_overlayer_lowered:
.L_overlay_start_2:
0x7c: {  	(tag) =	ssettag $0x2  }
0x7d: {  	s0 =	rddreg [dreg:$0x0];
	s2 =	stileid.u32  }
0x7e: {  	s1 =	rddreg [dreg:$0x1];
	p0 =	sne.s32 s2, $0x0  }
0x7f: {  	s3 =	rddreg [dreg:$0x2];
	[bflag:$0x3] =	sbarrier.arrive $0xFFFF;
	s2 =	simm.s32 @!p0 $0x1C02  }
0x80: {  	[timem:s3], [sflag:s2] =	dma.local @!p0 [hbm:s0], s1  }
0x81: {  	s0 =	simm.s32 @!p0 $0x2  }
0x82: {  	_ =	swait.ge @!p0 [sflag:s0], s1  }
0x83: {  	s1 =	ssub.s32 @!p0 $0x0, s1;
	[sflag:s0] =	ssyncset.done @!p0 $0x0  }
0x84: {  	[sflag:s0] =	ssyncadd.s32 @!p0 s1  }
0x85: {  	[bflag:$0x3] =	sbarrier.arrive $0xFFFF  }
0x86: {  	_ =	shalt  }

// kernel: kernel.13.cloned.1.call-start
scs
__scs_entry_jumppad:
0x0: {  	(pc) =	sbr.rel $0x88, $3  }
0x1: {  	(tag) =	ssettag $0x0;
	lr =	simm.s32 $0x1  }
0x2: {  	[smem:$0x3F9F] =	sst lr;
	_ =	strace $0xD0000000  }
0x3: {  	_ = 	snop  }
0x4: {  	_ = 	snop  }
0x5: {  	_ = 	snop  }
0x6: {  	_ = 	snop  }
0x7: {  	_ = 	snop  }
__scs_overlays_trampoline_lowered:
0x8: {  	[smem:$0x3FAE] =	sst s0  }
0x9: {  	[smem:$0x3FAF] =	sst s1  }
0xa: {  	[smem:$0x3FB0] =	sst s2  }
0xb: {  	[smem:$0x3FB1] =	sst s3  }
0xc: {  	[smem:$0x3FB2] =	sst s4  }
0xd: {  	[smem:$0x3FB3] =	sst s5  }
0xe: {  	[smem:$0x3FB4] =	sst s6  }
0xf: {  	[smem:$0x3FB5] =	sst s7  }
0x10: {  	[smem:$0x3FB6] =	sst s8  }
0x11: {  	[smem:$0x3FB7] =	sst s9;
	s0 =	simm.s32 @!p0 $0x0  }
0x12: {  	s1 =	sld [smem:$0x3F9D];
	s0 =	simm.s32 @p0 $0x1  }
0x13: {  	[smem:$0x3FB8] =	sst s0;
	s0 =	simm.s32 @!p1 $0x0  }
0x14: {  	s2 =	sld [smem:$0x3F9C];
	s0 =	simm.s32 @p1 $0x1  }
0x15: {  	[smem:$0x3FB9] =	sst s0;
	s0 =	simm.s32 @!p2 $0x0  }
0x16: {  	s3 =	sld [smem:$0x3FDB];
	s0 =	simm.s32 @p2 $0x1  }
0x17: {  	s4 =	simm.s32 $0x1BF5;
	[smem:$0x3FBB] =	sst s0  }
0x18: {  	s0 =	sld [smem:$0x3F9E];
	_ =	swait.ge [sflag:s4], $0x0  }
0x19: {  	s7 =	sld [smem:$0x3F9F]  }
0x1a: {  	s8 =	sadd.s32 $0xFFFFE003, lr  }
0x1b: {  	s9 =	sadd.s32 $0xFFFFFEF7, lr;
	s5 =	simm.s32 $0xFFFFFFFF;
	p2 =	slt.u32 s8, $0xFFFFF086  }
0x1c: {  	p1 =	slt.u32 s9, $0xF7A;
	s5 =	simm.s32 @!p2 $0x0  }
0x1d: {  	s5 =	simm.s32 @p1 $0x1;
	p0 =	seq.s32 s7, s2  }
0x1e: {  	s7 =	smul.u32 @!p0 $0xF7A, s2;
	p2 =	seq.s32 @!p0 s5, $0x0  }
0x1f: {  	s9 =	smul.u32 $0xF7A, s1;
	s8 =	simm.s32 @!p0 $0x1BF5;
	p2 =	por !p2, p0  }
0x20: {  	[sflag:s8] =	ssyncset.s32 @!p0 $0xFFFFF086;
	s6 =	sadd.s32 @!p0 s3, s7;
	s7 =	simm.s32 @!p0 $0x108  }
0x21: {  	s3 =	sadd.s32 s3, s9;
	s6 =	sadd.s32 @!p0 $0x88, s6;
	s7 =	simm.s32 @p2 $0x1082  }
0x22: {  	[simem:s7], [sflag:s8] =	dma.local @!p0 [hbm:s6], $0xF7A  }
0x23: {  	s9 =	sor.u32 $0xD0000000, s2;
	s6 =	simm.s32 $0x108;
	_ =	swait.ge @!p0 [sflag:s8], $0x0  }
0x24: {  	s3 =	sadd.s32 $0x88, s3;
	s6 =	simm.s32 @!p1 $0x1082;
	[sflag:s4] =	ssyncset.s32 $0xFFFFF086  }
0x25: {  	[simem:s6], [sflag:s4] =	dma.local [hbm:s3], $0xF7A  }
0x26: {  	[smem:$0x3F9F] =	sst s1;
	(tag) =	ssettag s2;
	_ =	strace s9  }
0x27: {  	s1 =	sld [smem:$0x3FAF]  }
0x28: {  	s2 =	sld [smem:$0x3FB0]  }
0x29: {  	s4 =	sld [smem:$0x3FB2]  }
0x2a: {  	p0 =	seq.s32 s5, $0x0;
	s5 =	sld [smem:$0x3FB3]  }
0x2b: {  	s6 =	sld [smem:$0x3FB4]  }
0x2c: {  	s7 =	sld [smem:$0x3FB5]  }
0x2d: {  	s3 =	simm.s32 $0x108;
	s8 =	sld [smem:$0x3FB6]  }
0x2e: {  	s3 =	simm.s32 @!p0 $0x1082;
	s9 =	sld [smem:$0x3FB7]  }
0x2f: {  	lr =	sadd.s32 s0, s3;
	s0 =	sld [smem:$0x3FAE]  }
0x30: {  	s3 =	sld [smem:$0x3FB1]  }
0x31: {  	[smem:$0x3FBA] =	sst s10  }
0x32: {  	s10 =	sld [smem:$0x3FB8];
	_ =	sdelay $0x3  }
0x33: {  	p0 =	seq.s32 s10, $0x1;
	s10 =	sld [smem:$0x3FBA];
	_ =	sdelay $0x3  }
0x34: {  	[smem:$0x3FBA] =	sst s10  }
0x35: {  	s10 =	sld [smem:$0x3FB9];
	_ =	sdelay $0x3  }
0x36: {  	p1 =	seq.s32 s10, $0x1;
	s10 =	sld [smem:$0x3FBA];
	_ =	sdelay $0x3  }
0x37: {  	[smem:$0x3FBA] =	sst s10  }
0x38: {  	s10 =	sld [smem:$0x3FBB]  }
0x39: {  	_ = 	snop;
	(pc) =	sbr.ind lr, $3  }
0x3a: {  	_ = 	snop  }
0x3b: {  	_ = 	snop  }
0x3c: {  	p2 =	seq.s32 s10, $0x1;
	s10 =	sld [smem:$0x3FBA]  }
0x3d: {  	_ =	shalt  }
0x3e: {  	_ =	shalt  }
0x3f: {  	_ =	shalt  }
0x40: {  	_ =	shalt  }
0x41: {  	_ =	shalt  }
0x42: {  	_ =	shalt  }
0x43: {  	_ =	shalt  }
0x44: {  	_ =	shalt  }
0x45: {  	_ =	shalt  }
0x46: {  	_ =	shalt  }
0x47: {  	_ =	shalt  }
0x48: {  	_ =	shalt  }
0x49: {  	_ =	shalt  }
0x4a: {  	_ =	shalt  }
0x4b: {  	_ =	shalt  }
0x4c: {  	_ =	shalt  }
0x4d: {  	_ =	shalt  }
0x4e: {  	_ =	shalt  }
0x4f: {  	_ =	shalt  }
0x50: {  	_ =	shalt  }
0x51: {  	_ =	shalt  }
0x52: {  	_ =	shalt  }
0x53: {  	_ =	shalt  }
0x54: {  	_ =	shalt  }
0x55: {  	_ =	shalt  }
0x56: {  	_ =	shalt  }
0x57: {  	_ =	shalt  }
0x58: {  	_ =	shalt  }
0x59: {  	_ =	shalt  }
0x5a: {  	_ =	shalt  }
0x5b: {  	_ =	shalt  }
0x5c: {  	_ =	shalt  }
0x5d: {  	_ =	shalt  }
0x5e: {  	_ =	shalt  }
0x5f: {  	_ =	shalt  }
0x60: {  	_ =	shalt  }
0x61: {  	_ =	shalt  }
0x62: {  	_ =	shalt  }
0x63: {  	_ =	shalt  }
0x64: {  	_ =	shalt  }
0x65: {  	_ =	shalt  }
0x66: {  	_ =	shalt  }
0x67: {  	_ =	shalt  }
0x68: {  	_ =	shalt  }
0x69: {  	_ =	shalt  }
0x6a: {  	_ =	shalt  }
0x6b: {  	_ =	shalt  }
0x6c: {  	_ =	shalt  }
0x6d: {  	_ =	shalt  }
0x6e: {  	_ =	shalt  }
0x6f: {  	_ =	shalt  }
0x70: {  	_ =	shalt  }
0x71: {  	_ =	shalt  }
0x72: {  	_ =	shalt  }
0x73: {  	_ =	shalt  }
0x74: {  	_ =	shalt  }
0x75: {  	_ =	shalt  }
0x76: {  	_ =	shalt  }
0x77: {  	_ =	shalt  }
0x78: {  	_ =	shalt  }
0x79: {  	_ =	shalt  }
0x7a: {  	_ =	shalt  }
0x7b: {  	_ =	shalt  }
0x7c: {  	_ =	shalt  }
0x7d: {  	_ =	shalt  }
0x7e: {  	_ =	shalt  }
0x7f: {  	_ =	shalt  }
0x80: {  	_ =	shalt  }
0x81: {  	_ =	shalt  }
0x82: {  	_ =	shalt  }
0x83: {  	_ =	shalt  }
0x84: {  	_ =	shalt  }
0x85: {  	_ =	shalt  }
0x86: {  	_ =	shalt  }
0x87: {  	_ =	shalt  }
.Lfunc_end0:
.L_simem_size_0:
called_computation.1_lowered:
.L_overlay_start_0:
0x88: {  	s2 =	sld [smem:$0x3FD9]  }
0x89: {  	s3 =	sld [smem:$0x3FFE];
	_ =	sdelay $0x1  }
0x8a: {  	s1 =	srdreg.scid  }
0x8b: {  	s0 =	sand.u32 $0x1, s1  }
0x8c: {  	s17 =	sshll.u32 s0, $0xA;
	s2 =	sadd.s32 s3, s2  }
0x8d: {  	s2 =	sadd.s32 s2, s17  }
0x8e: {  	[smem:$0x3FC6] =	sst s2  }
0x8f: {  	_ = 	snop  }
0x90: {  	s2 =	sld [smem:$0x3FD0];
	(tm) =	ssettm $0x1  }
0x91: {  	s18 =	sld [smem:$0x3FFB];
	_ =	sdelay $0x3  }
0x92: {  	_ =	strace s18  }
0x93: {  	s3 =	sld [smem:$0x3FFC];
	_ =	sdelay $0x3  }
0x94: {  	_ =	strace s3  }
0x95: {  	s3 =	sld [smem:$0x3FFD];
	_ =	sdelay $0x3  }
0x96: {  	_ =	strace s3  }
0x97: {  	_ =	strace $0x8FFFFFFF  }
0x98: {  	s19 =	sld [smem:$0x3FDB];
	_ =	sdelay $0x1  }
0x99: {  	s4 =	simm.s32 $_scs_section_size  }
0x9a: {  	s5 =	simm.s32 $_size__tile_overlayer_lowered;
	s6 =	simm.s32 $_tile_overlayer_lowered  }
0x9b: {  	s22 =	simm.s32 $0x1BFF;
	s21 =	sshll.u32 s6, $0x1;
	s3 =	sadd.s32 s4, s19  }
0x9c: {  	s7 =	simm.s32 $0x0;
	s20 =	sshll.u32 s5, $0x1;
	s5 =	sadd.s32 s21, s3  }
0x9d: {  	[timem:s7], [sflag:s22] =	dma.local [hbm:s5], s20  }
0x9e: {  	_ =	swait.ge [sflag:s22], s20  }
0x9f: {  	s4 =	ssub.s32 $0x0, s20;
	[sflag:s22] =	ssyncset.done $0x0  }
0xa0: {  	[sflag:s22] =	ssyncadd.s32 s4;
	_ =	sdelay $0x1  }
0xa1: {  	s23 =	simm.s32 $0x1B8B  }
0xa2: {  	_ =	swait.ge [sflag:s23], $0x1  }
0xa3: {  	[sflag:s23] =	ssyncset.done $0x0  }
0xa4: {  	s25 =	simm.s32 $0x1B8E;
	s24 =	sld [smem:$0x3FFE];
	[sflag:s23] =	ssyncadd.s32 $0xFFFFFFFF  }
0xa5: {  	s26 =	simm.s32 $execute0_lowered;
	[smem:$0x3FD2] =	sst s25  }
0xa6: {  	s5 =	sshll.u32 s26, $0x1;
	_ =	strace $0x80000049;
	[dreg:$0x1] =	wrdreg $0xFFFFFFFF  }
0xa7: {  	s28 =	simm.s32 $_size_execute0_lowered;
	s3 =	sadd.s32 s3, s5;
	[dreg:$0x0] =	wrdreg $0x0  }
0xa8: {  	s5 =	sshll.u32 s28, $0x1;
	[dreg:$0x2] =	wrdreg s3  }
0xa9: {  	[dreg:$0x3] =	wrdreg s5  }
0xaa: {  	[dreg:$0x4] =	wrdreg $0xC0  }
0xab: {  	_ =	task [dreg:s7], $0x5FFFF  }
0xac: {  	[dreg:$0x1] =	wrdreg $0xFFFFFFFF  }
0xad: {  	[dreg:$0x0] =	wrdreg $0x60  }
0xae: {  	[dreg:$0x2] =	wrdreg s24  }
0xaf: {  	[dreg:$0x3] =	wrdreg s2  }
0xb0: {  	[dreg:$0x4] =	wrdreg $0x9  }
0xb1: {  	_ =	task.clear_ibuf [dreg:s7], $0x5FFFF;
	_ =	strace $0x90000049  }
0xb2: {  	s29 =	simm.s32 $0x9;
	_ =	strace $0x8000004B  }
0xb3: {  	_ =	swait.ge [sflag:s29], $0x1  }
0xb4: {  	[sflag:s29] =	ssyncadd.s32 $0xFFFFFFFF  }
0xb5: {  	_ =	strace $0x9000004B  }
0xb6: {  	_ =	sfence  }
0xb7: {  	s30 =	sld [smem:$0x0];
	_ =	sdelay $0x2  }
0xb8: {  	s31 =	sshll.u32 s1, $0xD;
	s1 =	sshrl.u32 s1, $0x2  }
0xb9: {  	s3 =	sand.u32 $0x4000, s31;
	s1 =	sadd.s32 s1, s30  }
0xba: {  	s0 =	sor.u32 s3, s0;
	s1 =	sshll.u32 s1, $0x11  }
0xbb: {  	s0 =	sor.u32 s1, s0  }
0xbc: {  	s0 =	sadd.s32 $0x8F2B, s0  }
0xbd: {  	[sflag:s0] =	ssyncadd.remote.s32 $0x1  }
0xbe: {  	_ =	sfence.sel $0xFFFF  }
0xbf: {  	[dreg:$0x0] =	wrdreg $0xFFFFFFFF;
	(pc) =	sbr.abs _section_cstart, $3  }
0xc0: {  	[dreg:$0x1] =	wrdreg $0xFFFFFFFF  }
0xc1: {  	_ =	task.clear_ibuf [dreg:s7], $0x2FFFF;
	_ =	strace $0x9FFFFFFF  }
0xc2: {  	(tm) =	ssettm $0x7FFFFFFF  }
0xc3: {  	_ =	shalt  }
tec
execute0_lowered:
.L_overlay_start_1:
0x0: {  	(tag) =	ssettag $0x1  }
0x1: {  	s3 =	rddreg [dreg:$0x0]  }
0x2: {  	s12 =	rddreg [dreg:$0x1]  }
0x3: {  	s0 =	rddreg [dreg:$0x2]  }
0x4: {  	s2 =	simm.s32 $0x0;
	s1 =	stileid.u32;
	s6 =	srdreg.scid  }
0x5: {  	s16 =	simm.s32 $0x2000;
	s17 =	simm.s32 $0x2400;
	s18 =	simm.s32 $0x2800  }
0x6: {  	s19 =	simm.s32 $0x2C00;
	s20 =	simm.s32 $0x1;
	s21 =	simm.s32 $0x0  }
0x7: {  	[smem:$0x7FF] =	sst s2;
	s4 =	sshrl.u32 s1, $0x3;
	s6 =	sand.u32 $0x1, s6  }
0x8: {  	s7 =	sshll.u32 s1, $0x1;
	s8 =	sadd.s32 $0x5800, s3;
	s5 =	smul.u32 $0x300, s4  }
0x9: {  	_ =	strace $0x8000004A;
	s7 =	sor.u32 s6, s7;
	s10 =	smul.u32 $0xC000, s4  }
0xa: {  	s6 =	ssub.s32 $0x2, s6;
	s4 =	sshll.u32 s4, $0x4;
	s9 =	sshll.u32 s7, $0x7  }
0xb: {  	s7 =	sshll.u32 s7, $0xA;
	s11 =	sshrl.u32 s6, $0x1;
	s30 =	sadd.s32 s4, s3  }
0xc: {  	s5 =	sadd.s32 s5, s3;
	s9 =	sadd.s32 s9, s3;
	s7 =	sand.u32 $0x3C00, s7  }
0xd: {  	s13 =	ssub.s32 s6, s11;
	s7 =	sor.u32 s10, s7;
	s3 =	sadd.s32 $0x3000, s5  }
0xe: {  	s13 =	smax.u32 s13, $0x1;
	s31 =	sshrl.u32 s7, $0x3;
	s7 =	sadd.s32 $0x3600, s9  }
0xf: {  	s14 =	sadd.s32 $0x800, s31;
	s15 =	sadd.s32 $0x1000, s31;
	s4 =	sadd.s32 s8, s31  }
0x10: {  	s10 =	sadd.s32 s12, s31;
	s5 =	sadd.s32 s8, s14;
	s6 =	sadd.s32 s8, s15  }
0x11: {  	s8 =	sadd.s32 $0x4600, s9;
	s9 =	sadd.s32 $0x5600, s30;
	s11 =	sadd.s32 s12, s14  }
0x12: {  	s12 =	sadd.s32 s12, s15;
	s14 =	simm.s32 $0x1800;
	s15 =	simm.s32 $0x1C00  }
.LBB2_1:
0x13: {  	[tilespmem:s2], [sflag:$0x1] =	stream.linear.gather [hbm4b:s3+s2], $0x1800, $0x38;
	[tilespmem:$0x2C80] =	vst v63  }
0x14: {  	_ = 	snop  }
0x15: {  	[tilespmem:s14], [sflag:$0x1] =	stream.linear.gather [hbm4b:s4+s2], $0x400, $0x38;
	[tilespmem:$0x2C80] =	vst v63  }
0x16: {  	_ = 	snop  }
0x17: {  	[tilespmem:s15], [sflag:$0x1] =	stream.linear.gather [hbm4b:s5+s2], $0x400, $0x38;
	[tilespmem:$0x2C80] =	vst v63  }
0x18: {  	_ = 	snop  }
0x19: {  	[tilespmem:s16], [sflag:$0x1] =	stream.linear.gather [hbm4b:s6+s2], $0x400, $0x38;
	[tilespmem:$0x2C80] =	vst v63  }
0x1a: {  	_ = 	snop  }
0x1b: {  	[tilespmem:s17], [sflag:$0x1] =	stream.linear.gather [hbm4b:s7+s2], $0x400, $0x38;
	[tilespmem:$0x2C80] =	vst v63  }
0x1c: {  	_ = 	snop  }
0x1d: {  	[tilespmem:s18], [sflag:$0x1] =	stream.linear.gather [hbm4b:s8+s2], $0x400, $0x38;
	[tilespmem:$0x2C80] =	vst v63  }
0x1e: {  	_ = 	snop  }
0x1f: {  	[tilespmem:s19], [sflag:$0x1] =	stream.linear.gather [hbm4b:s9+s2], $0x10, $0x38;
	[tilespmem:$0x2C80] =	vst v63  }
0x20: {  	_ =	swait.ge [sflag:s20], $0x1800  }
0x21: {  	[sflag:s20] =	ssyncset.done $0x0  }
0x22: {  	[sflag:s20] =	ssyncadd.s32 $0xFFFFE800  }
0x23: {  	_ =	swait.ge [sflag:s20], $0x400  }
0x24: {  	[sflag:s20] =	ssyncset.done $0x0  }
0x25: {  	[sflag:s20] =	ssyncadd.s32 $0xFFFFFC00  }
0x26: {  	_ =	swait.ge [sflag:s20], $0x400  }
0x27: {  	[sflag:s20] =	ssyncset.done $0x0  }
0x28: {  	[sflag:s20] =	ssyncadd.s32 $0xFFFFFC00  }
0x29: {  	_ =	swait.ge [sflag:s20], $0x400  }
0x2a: {  	[sflag:s20] =	ssyncset.done $0x0  }
0x2b: {  	[sflag:s20] =	ssyncadd.s32 $0xFFFFFC00  }
0x2c: {  	_ =	swait.ge [sflag:s20], $0x400  }
0x2d: {  	[sflag:s20] =	ssyncset.done $0x0  }
0x2e: {  	[sflag:s20] =	ssyncadd.s32 $0xFFFFFC00  }
0x2f: {  	_ =	swait.ge [sflag:s20], $0x400  }
0x30: {  	[sflag:s20] =	ssyncset.done $0x0  }
0x31: {  	[sflag:s20] =	ssyncadd.s32 $0xFFFFFC00  }
0x32: {  	_ =	swait.ge [sflag:s20], $0x10  }
0x33: {  	[sflag:s20] =	ssyncset.done $0x0  }
0x34: {  	[sflag:s20] =	ssyncadd.s32 $0xFFFFFFF0  }
0x35: {  	v0 =	vld [tilespmem:$0x2C00];
	_ =	sdelay $0x3  }
0x36: {  	s22 =	simm.s32 $0x0  }
0x37: {  	v1 =	vld [tilespmem:s22+$0x2400];
	v0 =	vadd.f32 $9.999999970e-07, v0;
	_ =	sdelay $0x1  }
0x38: {  	(erf) = vrcp.f32 v0;
	_ =	sdelay $0x2  }
0x39: {  	v0 =	vmul.u32 $0x3, v1;
	_ =	sdelay $0x1  }
0x3a: {  	v2 =	vld [tilespmem:s22+$0x2800];
	v1 =	vadd.s32 $0x1, v0  }
0x3b: {  	v4 =	vld [tilespmem:s22+$0x1800];
	v3 =	vadd.s32 $0x2, v0  }
0x3c: {  	v5 =	vld [tilespmem:s22+$0x1C00]  }
0x3d: {  	v7 =	vld [tilespmem:s22+$0x2000]  }
0x3e: {  	v6 =	vld.idx.msk [tilespmem:v0+s2+$0x0], $0xffff;
	v0 =	vpop (erf)  }
0x3f: {  	v1 =	vld.idx.msk [tilespmem:v1+s2+$0x0], $0xffff;
	v2 =	vmul.f32 v2, v0  }
0x40: {  	s23 =	simm.s32 $0x10;
	v3 =	vld.idx.msk [tilespmem:v3+s2+$0x0], $0xffff  }
0x41: {  	v8 =	vld [tilespmem:s23+$0x2400];
	v2 =	vsub.f32 $2.000000000e+00, v2  }
0x42: {  	v9 =	vld [tilespmem:s23+$0x2800]  }
0x43: {  	v6 =	vsub.f32 v6, v4;
	v2 =	vmul.f32 $1.000000010e-01, v2  }
0x44: {  	v10 =	vsub.f32 v1, v5  }
0x45: {  	v3 =	vsub.f32 v3, v7;
	v6 =	vmul.f32 v2, v6  }
0x46: {  	v1 =	vmul.u32 $0x3, v8;
	v8 =	vmul.f32 v10, v2  }
0x47: {  	v9 =	vmul.f32 v9, v0;
	v63 =	vmul.f32 v3, v2;
	v6 =	vadd.f32 v6, v4  }
0x48: {  	v3 =	vadd.s32 $0x1, v1;
	v5 =	vadd.f32 v8, v5  }
0x49: {  	s24 =	simm.s32 $0x80;
	v2 =	vsub.f32 $2.000000000e+00, v9;
	v4 =	vadd.s32 $0x2, v1;
	[tilespmem:s22+$0x1800] =	vst v6;
	v6 =	vadd.f32 v63, v7  }
.LBB2_2:
0x4a: {  	p0 =	sne.s32 s24, $0xFC0;
	v7 =	vld [tilespmem:s23+$0x1800];
	[tilespmem:s22+$0x1C00] =	vst v5;
	s25 =	smov.u32 s24;
	s24 =	sadd.s32 $0x40, s24  }
0x4b: {  	v5 =	vld [tilespmem:s23+$0x1C00];
	[tilespmem:s22+$0x2000] =	vst v6;
	s22 =	smov.u32 s23  }
0x4c: {  	v1 =	vld.idx.msk [tilespmem:v1+s2+$0x0], $0xffff  }
0x4d: {  	v3 =	vld.idx.msk [tilespmem:v3+s2+$0x0], $0xffff  }
0x4e: {  	v4 =	vld.idx.msk [tilespmem:v4+s2+$0x0], $0xffff  }
0x4f: {  	s23 =	sshra.s32 s25, $0x2;
	v6 =	vld [tilespmem:s22+$0x2000]  }
0x50: {  	v8 =	vld [tilespmem:s23+$0x2400]  }
0x51: {  	v9 =	vld [tilespmem:s23+$0x2800]  }
0x52: {  	v2 =	vmul.f32 $1.000000010e-01, v2;
	v1 =	vsub.f32 v1, v7  }
0x53: {  	v3 =	vsub.f32 v3, v5  }
.Ltmp0:
0x54: {  	v10 =	vmul.f32 v2, v1;
	v4 =	vsub.f32 v4, v6;
	(pc) =	sbr.rel @p0 .LBB2_2-.Ltmp0, $4  }
0x55: {  	v1 =	vmul.u32 $0x3, v8;
	v8 =	vmul.f32 v3, v2  }
0x56: {  	v7 =	vadd.f32 v10, v7;
	v9 =	vmul.f32 v9, v0;
	v10 =	vmul.f32 v4, v2  }
0x57: {  	v3 =	vadd.s32 $0x1, v1;
	v4 =	vadd.s32 $0x2, v1;
	v5 =	vadd.f32 v8, v5  }
0x58: {  	v2 =	vsub.f32 $2.000000000e+00, v9;
	[tilespmem:s22+$0x1800] =	vst v7;
	v6 =	vadd.f32 v10, v6  }
0x59: {  	_ =	sdelay $0x1  }
0x5a: {  	v0 =	vld [tilespmem:s23+$0x1800];
	[tilespmem:s22+$0x1C00] =	vst v5  }
0x5b: {  	v5 =	vld [tilespmem:s23+$0x1C00];
	[tilespmem:s22+$0x2000] =	vst v6  }
0x5c: {  	v1 =	vld.idx.msk [tilespmem:v1+s2+$0x0], $0xffff  }
0x5d: {  	v3 =	vld.idx.msk [tilespmem:v3+s2+$0x0], $0xffff  }
0x5e: {  	v4 =	vld.idx.msk [tilespmem:v4+s2+$0x0], $0xffff  }
0x5f: {  	v6 =	vld [tilespmem:s23+$0x2000];
	_ =	sdelay $0x2  }
0x60: {  	v2 =	vmul.f32 $1.000000010e-01, v2;
	v1 =	vsub.f32 v1, v0  }
0x61: {  	v3 =	vsub.f32 v3, v5  }
0x62: {  	v4 =	vsub.f32 v4, v6;
	v1 =	vmul.f32 v2, v1  }
0x63: {  	v3 =	vmul.f32 v3, v2  }
0x64: {  	v61 =	vmul.f32 v4, v2;
	v0 =	vadd.f32 v1, v0  }
0x65: {  	v62 =	vadd.f32 v3, v5  }
0x66: {  	v63 =	vadd.f32 v61, v6;
	[tilespmem:s23+$0x1800] =	vst v0  }
0x67: {  	[tilespmem:s23+$0x1C00] =	vst v62  }
0x68: {  	[tilespmem:s23+$0x2000] =	vst v63  }
0x69: {  	[hbm4b:s10+s2] =	stream.linear.scatter [tilespmem:s14], [sflag:$0x1], $0x400, $0x38;
	[tilespmem:$0x2C80] =	vst v63  }
0x6a: {  	_ = 	snop  }
0x6b: {  	[hbm4b:s11+s2] =	stream.linear.scatter [tilespmem:s15], [sflag:$0x1], $0x400, $0x38;
	[tilespmem:$0x2C80] =	vst v63  }
0x6c: {  	_ = 	snop  }
0x6d: {  	[hbm4b:s12+s2] =	stream.linear.scatter [tilespmem:s16], [sflag:$0x1], $0x400, $0x38;
	[tilespmem:$0x2C80] =	vst v63  }
0x6e: {  	_ =	swait.ge [sflag:s20], $0x400  }
0x6f: {  	[sflag:s20] =	ssyncset.done $0x0  }
0x70: {  	s21 =	sadd.s32 $0x1, s21;
	[sflag:s20] =	ssyncadd.s32 $0xFFFFFC00  }
0x71: {  	p0 =	sne.s32 s21, s13;
	_ =	swait.ge [sflag:s20], $0x400  }
.Ltmp1:
0x72: {  	[sflag:s20] =	ssyncset.done $0x0;
	(pc) =	sbr.rel @p0 .LBB2_1-.Ltmp1, $4  }
0x73: {  	[sflag:s20] =	ssyncadd.s32 $0xFFFFFC00  }
0x74: {  	_ =	swait.ge [sflag:s20], $0x400  }
0x75: {  	[sflag:s20] =	ssyncset.done $0x0  }
0x76: {  	[sflag:s20] =	ssyncadd.s32 $0xFFFFFC00  }
0x77: {  	_ =	sfence.sel $0x180000  }
0x78: {  	[bflag:$0x0] =	sbarrier.arrive $0xFFFF  }
0x79: {  	p0 =	sne.s32 s1, $0x0;
	_ =	strace $0x9000004A  }
0x7a: {  	s0 =	sadd.s32 @!p0 $0x100000, s0;
	[bflag:$0x2] =	sbarrier.arrive $0xFFFF  }
0x7b: {  	[sflag:s0] =	ssyncadd.tile.s32 @!p0 $0x1;
	_ =	shalt  }
.Lfunc_end2:
_tile_overlayer_lowered:
.L_overlay_start_2:
0x7c: {  	(tag) =	ssettag $0x2  }
0x7d: {  	s0 =	rddreg [dreg:$0x0];
	s2 =	stileid.u32  }
0x7e: {  	s1 =	rddreg [dreg:$0x1];
	p0 =	sne.s32 s2, $0x0  }
0x7f: {  	s3 =	rddreg [dreg:$0x2];
	[bflag:$0x3] =	sbarrier.arrive $0xFFFF;
	s2 =	simm.s32 @!p0 $0x1C02  }
0x80: {  	[timem:s3], [sflag:s2] =	dma.local @!p0 [hbm:s0], s1  }
0x81: {  	s0 =	simm.s32 @!p0 $0x2  }
0x82: {  	_ =	swait.ge @!p0 [sflag:s0], s1  }
0x83: {  	s1 =	ssub.s32 @!p0 $0x0, s1;
	[sflag:s0] =	ssyncset.done @!p0 $0x0  }
0x84: {  	[sflag:s0] =	ssyncadd.s32 @!p0 s1  }
0x85: {  	[bflag:$0x3] =	sbarrier.arrive $0xFFFF  }
0x86: {  	_ =	shalt  }

// kernel: kernel.16.cloned.1.call-start
scs
__scs_entry_jumppad:
0x0: {  	(pc) =	sbr.rel $0x88, $3  }
0x1: {  	(tag) =	ssettag $0x0;
	lr =	simm.s32 $0x1  }
0x2: {  	[smem:$0x3F9F] =	sst lr;
	_ =	strace $0xD0000000  }
0x3: {  	_ = 	snop  }
0x4: {  	_ = 	snop  }
0x5: {  	_ = 	snop  }
0x6: {  	_ = 	snop  }
0x7: {  	_ = 	snop  }
__scs_overlays_trampoline_lowered:
0x8: {  	[smem:$0x3FAE] =	sst s0  }
0x9: {  	[smem:$0x3FAF] =	sst s1  }
0xa: {  	[smem:$0x3FB0] =	sst s2  }
0xb: {  	[smem:$0x3FB1] =	sst s3  }
0xc: {  	[smem:$0x3FB2] =	sst s4  }
0xd: {  	[smem:$0x3FB3] =	sst s5  }
0xe: {  	[smem:$0x3FB4] =	sst s6  }
0xf: {  	[smem:$0x3FB5] =	sst s7  }
0x10: {  	[smem:$0x3FB6] =	sst s8  }
0x11: {  	[smem:$0x3FB7] =	sst s9;
	s0 =	simm.s32 @!p0 $0x0  }
0x12: {  	s1 =	sld [smem:$0x3F9D];
	s0 =	simm.s32 @p0 $0x1  }
0x13: {  	[smem:$0x3FB8] =	sst s0;
	s0 =	simm.s32 @!p1 $0x0  }
0x14: {  	s2 =	sld [smem:$0x3F9C];
	s0 =	simm.s32 @p1 $0x1  }
0x15: {  	[smem:$0x3FB9] =	sst s0;
	s0 =	simm.s32 @!p2 $0x0  }
0x16: {  	s3 =	sld [smem:$0x3FDB];
	s0 =	simm.s32 @p2 $0x1  }
0x17: {  	s4 =	simm.s32 $0x1BF5;
	[smem:$0x3FBB] =	sst s0  }
0x18: {  	s0 =	sld [smem:$0x3F9E];
	_ =	swait.ge [sflag:s4], $0x0  }
0x19: {  	s7 =	sld [smem:$0x3F9F]  }
0x1a: {  	s8 =	sadd.s32 $0xFFFFE003, lr  }
0x1b: {  	s9 =	sadd.s32 $0xFFFFFEF7, lr;
	s5 =	simm.s32 $0xFFFFFFFF;
	p2 =	slt.u32 s8, $0xFFFFF086  }
0x1c: {  	p1 =	slt.u32 s9, $0xF7A;
	s5 =	simm.s32 @!p2 $0x0  }
0x1d: {  	s5 =	simm.s32 @p1 $0x1;
	p0 =	seq.s32 s7, s2  }
0x1e: {  	s7 =	smul.u32 @!p0 $0xF7A, s2;
	p2 =	seq.s32 @!p0 s5, $0x0  }
0x1f: {  	s9 =	smul.u32 $0xF7A, s1;
	s8 =	simm.s32 @!p0 $0x1BF5;
	p2 =	por !p2, p0  }
0x20: {  	[sflag:s8] =	ssyncset.s32 @!p0 $0xFFFFF086;
	s6 =	sadd.s32 @!p0 s3, s7;
	s7 =	simm.s32 @!p0 $0x108  }
0x21: {  	s3 =	sadd.s32 s3, s9;
	s6 =	sadd.s32 @!p0 $0x88, s6;
	s7 =	simm.s32 @p2 $0x1082  }
0x22: {  	[simem:s7], [sflag:s8] =	dma.local @!p0 [hbm:s6], $0xF7A  }
0x23: {  	s9 =	sor.u32 $0xD0000000, s2;
	s6 =	simm.s32 $0x108;
	_ =	swait.ge @!p0 [sflag:s8], $0x0  }
0x24: {  	s3 =	sadd.s32 $0x88, s3;
	s6 =	simm.s32 @!p1 $0x1082;
	[sflag:s4] =	ssyncset.s32 $0xFFFFF086  }
0x25: {  	[simem:s6], [sflag:s4] =	dma.local [hbm:s3], $0xF7A  }
0x26: {  	[smem:$0x3F9F] =	sst s1;
	(tag) =	ssettag s2;
	_ =	strace s9  }
0x27: {  	s1 =	sld [smem:$0x3FAF]  }
0x28: {  	s2 =	sld [smem:$0x3FB0]  }
0x29: {  	s4 =	sld [smem:$0x3FB2]  }
0x2a: {  	p0 =	seq.s32 s5, $0x0;
	s5 =	sld [smem:$0x3FB3]  }
0x2b: {  	s6 =	sld [smem:$0x3FB4]  }
0x2c: {  	s7 =	sld [smem:$0x3FB5]  }
0x2d: {  	s3 =	simm.s32 $0x108;
	s8 =	sld [smem:$0x3FB6]  }
0x2e: {  	s3 =	simm.s32 @!p0 $0x1082;
	s9 =	sld [smem:$0x3FB7]  }
0x2f: {  	lr =	sadd.s32 s0, s3;
	s0 =	sld [smem:$0x3FAE]  }
0x30: {  	s3 =	sld [smem:$0x3FB1]  }
0x31: {  	[smem:$0x3FBA] =	sst s10  }
0x32: {  	s10 =	sld [smem:$0x3FB8];
	_ =	sdelay $0x3  }
0x33: {  	p0 =	seq.s32 s10, $0x1;
	s10 =	sld [smem:$0x3FBA];
	_ =	sdelay $0x3  }
0x34: {  	[smem:$0x3FBA] =	sst s10  }
0x35: {  	s10 =	sld [smem:$0x3FB9];
	_ =	sdelay $0x3  }
0x36: {  	p1 =	seq.s32 s10, $0x1;
	s10 =	sld [smem:$0x3FBA];
	_ =	sdelay $0x3  }
0x37: {  	[smem:$0x3FBA] =	sst s10  }
0x38: {  	s10 =	sld [smem:$0x3FBB]  }
0x39: {  	_ = 	snop;
	(pc) =	sbr.ind lr, $3  }
0x3a: {  	_ = 	snop  }
0x3b: {  	_ = 	snop  }
0x3c: {  	p2 =	seq.s32 s10, $0x1;
	s10 =	sld [smem:$0x3FBA]  }
0x3d: {  	_ =	shalt  }
0x3e: {  	_ =	shalt  }
0x3f: {  	_ =	shalt  }
0x40: {  	_ =	shalt  }
0x41: {  	_ =	shalt  }
0x42: {  	_ =	shalt  }
0x43: {  	_ =	shalt  }
0x44: {  	_ =	shalt  }
0x45: {  	_ =	shalt  }
0x46: {  	_ =	shalt  }
0x47: {  	_ =	shalt  }
0x48: {  	_ =	shalt  }
0x49: {  	_ =	shalt  }
0x4a: {  	_ =	shalt  }
0x4b: {  	_ =	shalt  }
0x4c: {  	_ =	shalt  }
0x4d: {  	_ =	shalt  }
0x4e: {  	_ =	shalt  }
0x4f: {  	_ =	shalt  }
0x50: {  	_ =	shalt  }
0x51: {  	_ =	shalt  }
0x52: {  	_ =	shalt  }
0x53: {  	_ =	shalt  }
0x54: {  	_ =	shalt  }
0x55: {  	_ =	shalt  }
0x56: {  	_ =	shalt  }
0x57: {  	_ =	shalt  }
0x58: {  	_ =	shalt  }
0x59: {  	_ =	shalt  }
0x5a: {  	_ =	shalt  }
0x5b: {  	_ =	shalt  }
0x5c: {  	_ =	shalt  }
0x5d: {  	_ =	shalt  }
0x5e: {  	_ =	shalt  }
0x5f: {  	_ =	shalt  }
0x60: {  	_ =	shalt  }
0x61: {  	_ =	shalt  }
0x62: {  	_ =	shalt  }
0x63: {  	_ =	shalt  }
0x64: {  	_ =	shalt  }
0x65: {  	_ =	shalt  }
0x66: {  	_ =	shalt  }
0x67: {  	_ =	shalt  }
0x68: {  	_ =	shalt  }
0x69: {  	_ =	shalt  }
0x6a: {  	_ =	shalt  }
0x6b: {  	_ =	shalt  }
0x6c: {  	_ =	shalt  }
0x6d: {  	_ =	shalt  }
0x6e: {  	_ =	shalt  }
0x6f: {  	_ =	shalt  }
0x70: {  	_ =	shalt  }
0x71: {  	_ =	shalt  }
0x72: {  	_ =	shalt  }
0x73: {  	_ =	shalt  }
0x74: {  	_ =	shalt  }
0x75: {  	_ =	shalt  }
0x76: {  	_ =	shalt  }
0x77: {  	_ =	shalt  }
0x78: {  	_ =	shalt  }
0x79: {  	_ =	shalt  }
0x7a: {  	_ =	shalt  }
0x7b: {  	_ =	shalt  }
0x7c: {  	_ =	shalt  }
0x7d: {  	_ =	shalt  }
0x7e: {  	_ =	shalt  }
0x7f: {  	_ =	shalt  }
0x80: {  	_ =	shalt  }
0x81: {  	_ =	shalt  }
0x82: {  	_ =	shalt  }
0x83: {  	_ =	shalt  }
0x84: {  	_ =	shalt  }
0x85: {  	_ =	shalt  }
0x86: {  	_ =	shalt  }
0x87: {  	_ =	shalt  }
.Lfunc_end0:
.L_simem_size_0:
called_computation.2_lowered:
.L_overlay_start_0:
0x88: {  	s2 =	sld [smem:$0x3FD9]  }
0x89: {  	s3 =	sld [smem:$0x3FFE];
	_ =	sdelay $0x1  }
0x8a: {  	s1 =	srdreg.scid  }
0x8b: {  	s0 =	sand.u32 $0x1, s1  }
0x8c: {  	s17 =	sshll.u32 s0, $0xA;
	s2 =	sadd.s32 s3, s2  }
0x8d: {  	s2 =	sadd.s32 s2, s17  }
0x8e: {  	[smem:$0x3FC6] =	sst s2  }
0x8f: {  	_ = 	snop  }
0x90: {  	s2 =	sld [smem:$0x3FD0];
	(tm) =	ssettm $0x1  }
0x91: {  	s18 =	sld [smem:$0x3FFB];
	_ =	sdelay $0x3  }
0x92: {  	_ =	strace s18  }
0x93: {  	s3 =	sld [smem:$0x3FFC];
	_ =	sdelay $0x3  }
0x94: {  	_ =	strace s3  }
0x95: {  	s3 =	sld [smem:$0x3FFD];
	_ =	sdelay $0x3  }
0x96: {  	_ =	strace s3  }
0x97: {  	_ =	strace $0x8FFFFFFF  }
0x98: {  	s19 =	sld [smem:$0x3FDB];
	_ =	sdelay $0x1  }
0x99: {  	s4 =	simm.s32 $_scs_section_size  }
0x9a: {  	s5 =	simm.s32 $_size__tile_overlayer_lowered;
	s6 =	simm.s32 $_tile_overlayer_lowered  }
0x9b: {  	s22 =	simm.s32 $0x1BFF;
	s21 =	sshll.u32 s6, $0x1;
	s3 =	sadd.s32 s4, s19  }
0x9c: {  	s7 =	simm.s32 $0x0;
	s20 =	sshll.u32 s5, $0x1;
	s5 =	sadd.s32 s21, s3  }
0x9d: {  	[timem:s7], [sflag:s22] =	dma.local [hbm:s5], s20  }
0x9e: {  	_ =	swait.ge [sflag:s22], s20  }
0x9f: {  	s4 =	ssub.s32 $0x0, s20;
	[sflag:s22] =	ssyncset.done $0x0  }
0xa0: {  	[sflag:s22] =	ssyncadd.s32 s4;
	_ =	sdelay $0x1  }
0xa1: {  	s23 =	simm.s32 $0x1B8B  }
0xa2: {  	_ =	swait.ge [sflag:s23], $0x1  }
0xa3: {  	[sflag:s23] =	ssyncset.done $0x0  }
0xa4: {  	s25 =	simm.s32 $0x1B8E;
	s24 =	sld [smem:$0x3FFE];
	[sflag:s23] =	ssyncadd.s32 $0xFFFFFFFF  }
0xa5: {  	s26 =	simm.s32 $execute0_lowered;
	[smem:$0x3FD2] =	sst s25  }
0xa6: {  	s5 =	sshll.u32 s26, $0x1;
	_ =	strace $0x8000004C;
	[dreg:$0x1] =	wrdreg $0xFFFFFFFF  }
0xa7: {  	s28 =	simm.s32 $_size_execute0_lowered;
	s3 =	sadd.s32 s3, s5;
	[dreg:$0x0] =	wrdreg $0x0  }
0xa8: {  	s5 =	sshll.u32 s28, $0x1;
	[dreg:$0x2] =	wrdreg s3  }
0xa9: {  	[dreg:$0x3] =	wrdreg s5  }
0xaa: {  	[dreg:$0x4] =	wrdreg $0xC0  }
0xab: {  	_ =	task [dreg:s7], $0x5FFFF  }
0xac: {  	[dreg:$0x1] =	wrdreg $0xFFFFFFFF  }
0xad: {  	[dreg:$0x0] =	wrdreg $0x60  }
0xae: {  	[dreg:$0x2] =	wrdreg s2  }
0xaf: {  	[dreg:$0x3] =	wrdreg s24  }
0xb0: {  	[dreg:$0x4] =	wrdreg $0x9  }
0xb1: {  	_ =	task.clear_ibuf [dreg:s7], $0x5FFFF;
	_ =	strace $0x9000004C  }
0xb2: {  	s29 =	simm.s32 $0x9;
	_ =	strace $0x8000004E  }
0xb3: {  	_ =	swait.ge [sflag:s29], $0x1  }
0xb4: {  	[sflag:s29] =	ssyncadd.s32 $0xFFFFFFFF  }
0xb5: {  	_ =	strace $0x9000004E  }
0xb6: {  	_ =	sfence  }
0xb7: {  	s30 =	sld [smem:$0x0];
	_ =	sdelay $0x2  }
0xb8: {  	s31 =	sshll.u32 s1, $0xD;
	s1 =	sshrl.u32 s1, $0x2  }
0xb9: {  	s3 =	sand.u32 $0x4000, s31;
	s1 =	sadd.s32 s1, s30  }
0xba: {  	s0 =	sor.u32 s3, s0;
	s1 =	sshll.u32 s1, $0x11  }
0xbb: {  	s0 =	sor.u32 s1, s0  }
0xbc: {  	s0 =	sadd.s32 $0x8F2B, s0  }
0xbd: {  	[sflag:s0] =	ssyncadd.remote.s32 $0x1  }
0xbe: {  	_ =	sfence.sel $0xFFFF  }
0xbf: {  	[dreg:$0x0] =	wrdreg $0xFFFFFFFF;
	(pc) =	sbr.abs _section_cstart, $3  }
0xc0: {  	[dreg:$0x1] =	wrdreg $0xFFFFFFFF  }
0xc1: {  	_ =	task.clear_ibuf [dreg:s7], $0x2FFFF;
	_ =	strace $0x9FFFFFFF  }
0xc2: {  	(tm) =	ssettm $0x7FFFFFFF  }
0xc3: {  	_ =	shalt  }
tec
execute0_lowered:
.L_overlay_start_1:
0x0: {  	(tag) =	ssettag $0x1  }
0x1: {  	s6 =	rddreg [dreg:$0x0]  }
0x2: {  	s3 =	rddreg [dreg:$0x1]  }
0x3: {  	s0 =	rddreg [dreg:$0x2]  }
0x4: {  	s1 =	stileid.u32;
	s2 =	simm.s32 $0x0;
	s5 =	srdreg.scid  }
0x5: {  	s16 =	simm.s32 $0x2000;
	s17 =	simm.s32 $0x2400;
	s18 =	simm.s32 $0x2800  }
0x6: {  	s19 =	simm.s32 $0x2C00;
	s20 =	simm.s32 $0x1;
	s21 =	simm.s32 $0x0  }
0x7: {  	s4 =	sshrl.u32 s1, $0x3;
	s5 =	sand.u32 $0x1, s5;
	s8 =	sshll.u32 s1, $0x1  }
0x8: {  	[smem:$0x7FF] =	sst s2;
	s12 =	sadd.s32 $0x5800, s3;
	s7 =	smul.u32 $0x300, s4  }
0x9: {  	s8 =	sor.u32 s5, s8;
	_ =	strace $0x8000004D;
	s10 =	smul.u32 $0xC000, s4  }
0xa: {  	s4 =	sshll.u32 s4, $0x4;
	s5 =	ssub.s32 $0x2, s5;
	s9 =	sshll.u32 s8, $0x7  }
0xb: {  	s8 =	sshll.u32 s8, $0xA;
	s11 =	sadd.s32 s4, s3;
	s31 =	sshrl.u32 s5, $0x1  }
0xc: {  	s7 =	sadd.s32 s7, s3;
	s9 =	sadd.s32 s9, s3;
	s8 =	sand.u32 $0x3C00, s8  }
0xd: {  	s13 =	ssub.s32 s5, s31;
	s8 =	sor.u32 s10, s8;
	s3 =	sadd.s32 $0x3000, s7  }
0xe: {  	s7 =	sadd.s32 $0x3600, s9;
	s13 =	smax.u32 s13, $0x1;
	s10 =	sshrl.u32 s8, $0x3  }
0xf: {  	s8 =	sadd.s32 $0x4600, s9;
	s9 =	sadd.s32 $0x5600, s11;
	s14 =	sadd.s32 $0x800, s10  }
0x10: {  	s15 =	sadd.s32 $0x1000, s10;
	s4 =	sadd.s32 s6, s10;
	s10 =	sadd.s32 s12, s10  }
0x11: {  	s5 =	sadd.s32 s6, s14;
	s6 =	sadd.s32 s6, s15;
	s11 =	sadd.s32 s12, s14  }
0x12: {  	s12 =	sadd.s32 s12, s15;
	s14 =	simm.s32 $0x1800;
	s15 =	simm.s32 $0x1C00  }
.LBB2_1:
0x13: {  	[tilespmem:s2], [sflag:$0x1] =	stream.linear.gather [hbm4b:s3+s2], $0x1800, $0x38;
	[tilespmem:$0x2C80] =	vst v63  }
0x14: {  	_ = 	snop  }
0x15: {  	[tilespmem:s14], [sflag:$0x1] =	stream.linear.gather [hbm4b:s4+s2], $0x400, $0x38;
	[tilespmem:$0x2C80] =	vst v63  }
0x16: {  	_ = 	snop  }
0x17: {  	[tilespmem:s15], [sflag:$0x1] =	stream.linear.gather [hbm4b:s5+s2], $0x400, $0x38;
	[tilespmem:$0x2C80] =	vst v63  }
0x18: {  	_ = 	snop  }
0x19: {  	[tilespmem:s16], [sflag:$0x1] =	stream.linear.gather [hbm4b:s6+s2], $0x400, $0x38;
	[tilespmem:$0x2C80] =	vst v63  }
0x1a: {  	_ = 	snop  }
0x1b: {  	[tilespmem:s17], [sflag:$0x1] =	stream.linear.gather [hbm4b:s7+s2], $0x400, $0x38;
	[tilespmem:$0x2C80] =	vst v63  }
0x1c: {  	_ = 	snop  }
0x1d: {  	[tilespmem:s18], [sflag:$0x1] =	stream.linear.gather [hbm4b:s8+s2], $0x400, $0x38;
	[tilespmem:$0x2C80] =	vst v63  }
0x1e: {  	_ = 	snop  }
0x1f: {  	[tilespmem:s19], [sflag:$0x1] =	stream.linear.gather [hbm4b:s9+s2], $0x10, $0x38;
	[tilespmem:$0x2C80] =	vst v63  }
0x20: {  	_ =	swait.ge [sflag:s20], $0x1800  }
0x21: {  	[sflag:s20] =	ssyncset.done $0x0  }
0x22: {  	[sflag:s20] =	ssyncadd.s32 $0xFFFFE800  }
0x23: {  	_ =	swait.ge [sflag:s20], $0x400  }
0x24: {  	[sflag:s20] =	ssyncset.done $0x0  }
0x25: {  	[sflag:s20] =	ssyncadd.s32 $0xFFFFFC00  }
0x26: {  	_ =	swait.ge [sflag:s20], $0x400  }
0x27: {  	[sflag:s20] =	ssyncset.done $0x0  }
0x28: {  	[sflag:s20] =	ssyncadd.s32 $0xFFFFFC00  }
0x29: {  	_ =	swait.ge [sflag:s20], $0x400  }
0x2a: {  	[sflag:s20] =	ssyncset.done $0x0  }
0x2b: {  	[sflag:s20] =	ssyncadd.s32 $0xFFFFFC00  }
0x2c: {  	_ =	swait.ge [sflag:s20], $0x400  }
0x2d: {  	[sflag:s20] =	ssyncset.done $0x0  }
0x2e: {  	[sflag:s20] =	ssyncadd.s32 $0xFFFFFC00  }
0x2f: {  	_ =	swait.ge [sflag:s20], $0x400  }
0x30: {  	[sflag:s20] =	ssyncset.done $0x0  }
0x31: {  	[sflag:s20] =	ssyncadd.s32 $0xFFFFFC00  }
0x32: {  	_ =	swait.ge [sflag:s20], $0x10  }
0x33: {  	[sflag:s20] =	ssyncset.done $0x0  }
0x34: {  	[sflag:s20] =	ssyncadd.s32 $0xFFFFFFF0  }
0x35: {  	v0 =	vld [tilespmem:$0x2C00];
	_ =	sdelay $0x3  }
0x36: {  	s22 =	simm.s32 $0x0  }
0x37: {  	v1 =	vld [tilespmem:s22+$0x2400];
	v0 =	vadd.f32 $9.999999970e-07, v0;
	_ =	sdelay $0x1  }
0x38: {  	(erf) = vrcp.f32 v0;
	_ =	sdelay $0x2  }
0x39: {  	v0 =	vmul.u32 $0x3, v1;
	_ =	sdelay $0x1  }
0x3a: {  	v2 =	vld [tilespmem:s22+$0x2800];
	v1 =	vadd.s32 $0x1, v0  }
0x3b: {  	v4 =	vld [tilespmem:s22+$0x1800];
	v3 =	vadd.s32 $0x2, v0  }
0x3c: {  	v5 =	vld [tilespmem:s22+$0x1C00]  }
0x3d: {  	v7 =	vld [tilespmem:s22+$0x2000]  }
0x3e: {  	v6 =	vld.idx.msk [tilespmem:v0+s2+$0x0], $0xffff;
	v0 =	vpop (erf)  }
0x3f: {  	v1 =	vld.idx.msk [tilespmem:v1+s2+$0x0], $0xffff;
	v2 =	vmul.f32 v2, v0  }
0x40: {  	s23 =	simm.s32 $0x10;
	v3 =	vld.idx.msk [tilespmem:v3+s2+$0x0], $0xffff  }
0x41: {  	v8 =	vld [tilespmem:s23+$0x2400];
	v2 =	vsub.f32 $2.000000000e+00, v2  }
0x42: {  	v9 =	vld [tilespmem:s23+$0x2800]  }
0x43: {  	v6 =	vsub.f32 v6, v4;
	v2 =	vmul.f32 $1.000000010e-01, v2  }
0x44: {  	v10 =	vsub.f32 v1, v5  }
0x45: {  	v3 =	vsub.f32 v3, v7;
	v6 =	vmul.f32 v2, v6  }
0x46: {  	v1 =	vmul.u32 $0x3, v8;
	v8 =	vmul.f32 v10, v2  }
0x47: {  	v9 =	vmul.f32 v9, v0;
	v63 =	vmul.f32 v3, v2;
	v6 =	vadd.f32 v6, v4  }
0x48: {  	v3 =	vadd.s32 $0x1, v1;
	v5 =	vadd.f32 v8, v5  }
0x49: {  	s24 =	simm.s32 $0x80;
	v2 =	vsub.f32 $2.000000000e+00, v9;
	v4 =	vadd.s32 $0x2, v1;
	[tilespmem:s22+$0x1800] =	vst v6;
	v6 =	vadd.f32 v63, v7  }
.LBB2_2:
0x4a: {  	p0 =	sne.s32 s24, $0xFC0;
	v7 =	vld [tilespmem:s23+$0x1800];
	[tilespmem:s22+$0x1C00] =	vst v5;
	s25 =	smov.u32 s24;
	s24 =	sadd.s32 $0x40, s24  }
0x4b: {  	v5 =	vld [tilespmem:s23+$0x1C00];
	[tilespmem:s22+$0x2000] =	vst v6;
	s22 =	smov.u32 s23  }
0x4c: {  	v1 =	vld.idx.msk [tilespmem:v1+s2+$0x0], $0xffff  }
0x4d: {  	v3 =	vld.idx.msk [tilespmem:v3+s2+$0x0], $0xffff  }
0x4e: {  	v4 =	vld.idx.msk [tilespmem:v4+s2+$0x0], $0xffff  }
0x4f: {  	s23 =	sshra.s32 s25, $0x2;
	v6 =	vld [tilespmem:s22+$0x2000]  }
0x50: {  	v8 =	vld [tilespmem:s23+$0x2400]  }
0x51: {  	v9 =	vld [tilespmem:s23+$0x2800]  }
0x52: {  	v2 =	vmul.f32 $1.000000010e-01, v2;
	v1 =	vsub.f32 v1, v7  }
0x53: {  	v3 =	vsub.f32 v3, v5  }
.Ltmp0:
0x54: {  	v10 =	vmul.f32 v2, v1;
	v4 =	vsub.f32 v4, v6;
	(pc) =	sbr.rel @p0 .LBB2_2-.Ltmp0, $4  }
0x55: {  	v1 =	vmul.u32 $0x3, v8;
	v8 =	vmul.f32 v3, v2  }
0x56: {  	v7 =	vadd.f32 v10, v7;
	v9 =	vmul.f32 v9, v0;
	v10 =	vmul.f32 v4, v2  }
0x57: {  	v3 =	vadd.s32 $0x1, v1;
	v4 =	vadd.s32 $0x2, v1;
	v5 =	vadd.f32 v8, v5  }
0x58: {  	v2 =	vsub.f32 $2.000000000e+00, v9;
	[tilespmem:s22+$0x1800] =	vst v7;
	v6 =	vadd.f32 v10, v6  }
0x59: {  	_ =	sdelay $0x1  }
0x5a: {  	v0 =	vld [tilespmem:s23+$0x1800];
	[tilespmem:s22+$0x1C00] =	vst v5  }
0x5b: {  	v5 =	vld [tilespmem:s23+$0x1C00];
	[tilespmem:s22+$0x2000] =	vst v6  }
0x5c: {  	v1 =	vld.idx.msk [tilespmem:v1+s2+$0x0], $0xffff  }
0x5d: {  	v3 =	vld.idx.msk [tilespmem:v3+s2+$0x0], $0xffff  }
0x5e: {  	v4 =	vld.idx.msk [tilespmem:v4+s2+$0x0], $0xffff  }
0x5f: {  	v6 =	vld [tilespmem:s23+$0x2000];
	_ =	sdelay $0x2  }
0x60: {  	v2 =	vmul.f32 $1.000000010e-01, v2;
	v1 =	vsub.f32 v1, v0  }
0x61: {  	v3 =	vsub.f32 v3, v5  }
0x62: {  	v4 =	vsub.f32 v4, v6;
	v1 =	vmul.f32 v2, v1  }
0x63: {  	v3 =	vmul.f32 v3, v2  }
0x64: {  	v61 =	vmul.f32 v4, v2;
	v0 =	vadd.f32 v1, v0  }
0x65: {  	v62 =	vadd.f32 v3, v5  }
0x66: {  	v63 =	vadd.f32 v61, v6;
	[tilespmem:s23+$0x1800] =	vst v0  }
0x67: {  	[tilespmem:s23+$0x1C00] =	vst v62  }
0x68: {  	[tilespmem:s23+$0x2000] =	vst v63  }
0x69: {  	[hbm4b:s10+s2] =	stream.linear.scatter [tilespmem:s14], [sflag:$0x1], $0x400, $0x38;
	[tilespmem:$0x2C80] =	vst v63  }
0x6a: {  	_ = 	snop  }
0x6b: {  	[hbm4b:s11+s2] =	stream.linear.scatter [tilespmem:s15], [sflag:$0x1], $0x400, $0x38;
	[tilespmem:$0x2C80] =	vst v63  }
0x6c: {  	_ = 	snop  }
0x6d: {  	[hbm4b:s12+s2] =	stream.linear.scatter [tilespmem:s16], [sflag:$0x1], $0x400, $0x38;
	[tilespmem:$0x2C80] =	vst v63  }
0x6e: {  	_ =	swait.ge [sflag:s20], $0x400  }
0x6f: {  	[sflag:s20] =	ssyncset.done $0x0  }
0x70: {  	s21 =	sadd.s32 $0x1, s21;
	[sflag:s20] =	ssyncadd.s32 $0xFFFFFC00  }
0x71: {  	p0 =	sne.s32 s21, s13;
	_ =	swait.ge [sflag:s20], $0x400  }
.Ltmp1:
0x72: {  	[sflag:s20] =	ssyncset.done $0x0;
	(pc) =	sbr.rel @p0 .LBB2_1-.Ltmp1, $4  }
0x73: {  	[sflag:s20] =	ssyncadd.s32 $0xFFFFFC00  }
0x74: {  	_ =	swait.ge [sflag:s20], $0x400  }
0x75: {  	[sflag:s20] =	ssyncset.done $0x0  }
0x76: {  	[sflag:s20] =	ssyncadd.s32 $0xFFFFFC00  }
0x77: {  	_ =	sfence.sel $0x180000  }
0x78: {  	[bflag:$0x0] =	sbarrier.arrive $0xFFFF  }
0x79: {  	p0 =	sne.s32 s1, $0x0;
	_ =	strace $0x9000004D  }
0x7a: {  	s0 =	sadd.s32 @!p0 $0x100000, s0;
	[bflag:$0x2] =	sbarrier.arrive $0xFFFF  }
0x7b: {  	[sflag:s0] =	ssyncadd.tile.s32 @!p0 $0x1;
	_ =	shalt  }
.Lfunc_end2:
_tile_overlayer_lowered:
.L_overlay_start_2:
0x7c: {  	(tag) =	ssettag $0x2  }
0x7d: {  	s0 =	rddreg [dreg:$0x0];
	s2 =	stileid.u32  }
0x7e: {  	s1 =	rddreg [dreg:$0x1];
	p0 =	sne.s32 s2, $0x0  }
0x7f: {  	s3 =	rddreg [dreg:$0x2];
	[bflag:$0x3] =	sbarrier.arrive $0xFFFF;
	s2 =	simm.s32 @!p0 $0x1C02  }
0x80: {  	[timem:s3], [sflag:s2] =	dma.local @!p0 [hbm:s0], s1  }
0x81: {  	s0 =	simm.s32 @!p0 $0x2  }
0x82: {  	_ =	swait.ge @!p0 [sflag:s0], s1  }
0x83: {  	s1 =	ssub.s32 @!p0 $0x0, s1;
	[sflag:s0] =	ssyncset.done @!p0 $0x0  }
0x84: {  	[sflag:s0] =	ssyncadd.s32 @!p0 s1  }
0x85: {  	[bflag:$0x3] =	sbarrier.arrive $0xFFFF  }
0x86: {  	_ =	shalt  }

// kernel: kernel.19.cloned.1.call-start
scs
__scs_entry_jumppad:
0x0: {  	(pc) =	sbr.rel $0x88, $3  }
0x1: {  	(tag) =	ssettag $0x0;
	lr =	simm.s32 $0x1  }
0x2: {  	[smem:$0x3F9F] =	sst lr;
	_ =	strace $0xD0000000  }
0x3: {  	_ = 	snop  }
0x4: {  	_ = 	snop  }
0x5: {  	_ = 	snop  }
0x6: {  	_ = 	snop  }
0x7: {  	_ = 	snop  }
__scs_overlays_trampoline_lowered:
0x8: {  	[smem:$0x3FAE] =	sst s0  }
0x9: {  	[smem:$0x3FAF] =	sst s1  }
0xa: {  	[smem:$0x3FB0] =	sst s2  }
0xb: {  	[smem:$0x3FB1] =	sst s3  }
0xc: {  	[smem:$0x3FB2] =	sst s4  }
0xd: {  	[smem:$0x3FB3] =	sst s5  }
0xe: {  	[smem:$0x3FB4] =	sst s6  }
0xf: {  	[smem:$0x3FB5] =	sst s7  }
0x10: {  	[smem:$0x3FB6] =	sst s8  }
0x11: {  	[smem:$0x3FB7] =	sst s9;
	s0 =	simm.s32 @!p0 $0x0  }
0x12: {  	s1 =	sld [smem:$0x3F9D];
	s0 =	simm.s32 @p0 $0x1  }
0x13: {  	[smem:$0x3FB8] =	sst s0;
	s0 =	simm.s32 @!p1 $0x0  }
0x14: {  	s2 =	sld [smem:$0x3F9C];
	s0 =	simm.s32 @p1 $0x1  }
0x15: {  	[smem:$0x3FB9] =	sst s0;
	s0 =	simm.s32 @!p2 $0x0  }
0x16: {  	s3 =	sld [smem:$0x3FDB];
	s0 =	simm.s32 @p2 $0x1  }
0x17: {  	s4 =	simm.s32 $0x1BF5;
	[smem:$0x3FBB] =	sst s0  }
0x18: {  	s0 =	sld [smem:$0x3F9E];
	_ =	swait.ge [sflag:s4], $0x0  }
0x19: {  	s7 =	sld [smem:$0x3F9F]  }
0x1a: {  	s8 =	sadd.s32 $0xFFFFE003, lr  }
0x1b: {  	s9 =	sadd.s32 $0xFFFFFEF7, lr;
	s5 =	simm.s32 $0xFFFFFFFF;
	p2 =	slt.u32 s8, $0xFFFFF086  }
0x1c: {  	p1 =	slt.u32 s9, $0xF7A;
	s5 =	simm.s32 @!p2 $0x0  }
0x1d: {  	s5 =	simm.s32 @p1 $0x1;
	p0 =	seq.s32 s7, s2  }
0x1e: {  	s7 =	smul.u32 @!p0 $0xF7A, s2;
	p2 =	seq.s32 @!p0 s5, $0x0  }
0x1f: {  	s9 =	smul.u32 $0xF7A, s1;
	s8 =	simm.s32 @!p0 $0x1BF5;
	p2 =	por !p2, p0  }
0x20: {  	[sflag:s8] =	ssyncset.s32 @!p0 $0xFFFFF086;
	s6 =	sadd.s32 @!p0 s3, s7;
	s7 =	simm.s32 @!p0 $0x108  }
0x21: {  	s3 =	sadd.s32 s3, s9;
	s6 =	sadd.s32 @!p0 $0x88, s6;
	s7 =	simm.s32 @p2 $0x1082  }
0x22: {  	[simem:s7], [sflag:s8] =	dma.local @!p0 [hbm:s6], $0xF7A  }
0x23: {  	s9 =	sor.u32 $0xD0000000, s2;
	s6 =	simm.s32 $0x108;
	_ =	swait.ge @!p0 [sflag:s8], $0x0  }
0x24: {  	s3 =	sadd.s32 $0x88, s3;
	s6 =	simm.s32 @!p1 $0x1082;
	[sflag:s4] =	ssyncset.s32 $0xFFFFF086  }
0x25: {  	[simem:s6], [sflag:s4] =	dma.local [hbm:s3], $0xF7A  }
0x26: {  	[smem:$0x3F9F] =	sst s1;
	(tag) =	ssettag s2;
	_ =	strace s9  }
0x27: {  	s1 =	sld [smem:$0x3FAF]  }
0x28: {  	s2 =	sld [smem:$0x3FB0]  }
0x29: {  	s4 =	sld [smem:$0x3FB2]  }
0x2a: {  	p0 =	seq.s32 s5, $0x0;
	s5 =	sld [smem:$0x3FB3]  }
0x2b: {  	s6 =	sld [smem:$0x3FB4]  }
0x2c: {  	s7 =	sld [smem:$0x3FB5]  }
0x2d: {  	s3 =	simm.s32 $0x108;
	s8 =	sld [smem:$0x3FB6]  }
0x2e: {  	s3 =	simm.s32 @!p0 $0x1082;
	s9 =	sld [smem:$0x3FB7]  }
0x2f: {  	lr =	sadd.s32 s0, s3;
	s0 =	sld [smem:$0x3FAE]  }
0x30: {  	s3 =	sld [smem:$0x3FB1]  }
0x31: {  	[smem:$0x3FBA] =	sst s10  }
0x32: {  	s10 =	sld [smem:$0x3FB8];
	_ =	sdelay $0x3  }
0x33: {  	p0 =	seq.s32 s10, $0x1;
	s10 =	sld [smem:$0x3FBA];
	_ =	sdelay $0x3  }
0x34: {  	[smem:$0x3FBA] =	sst s10  }
0x35: {  	s10 =	sld [smem:$0x3FB9];
	_ =	sdelay $0x3  }
0x36: {  	p1 =	seq.s32 s10, $0x1;
	s10 =	sld [smem:$0x3FBA];
	_ =	sdelay $0x3  }
0x37: {  	[smem:$0x3FBA] =	sst s10  }
0x38: {  	s10 =	sld [smem:$0x3FBB]  }
0x39: {  	_ = 	snop;
	(pc) =	sbr.ind lr, $3  }
0x3a: {  	_ = 	snop  }
0x3b: {  	_ = 	snop  }
0x3c: {  	p2 =	seq.s32 s10, $0x1;
	s10 =	sld [smem:$0x3FBA]  }
0x3d: {  	_ =	shalt  }
0x3e: {  	_ =	shalt  }
0x3f: {  	_ =	shalt  }
0x40: {  	_ =	shalt  }
0x41: {  	_ =	shalt  }
0x42: {  	_ =	shalt  }
0x43: {  	_ =	shalt  }
0x44: {  	_ =	shalt  }
0x45: {  	_ =	shalt  }
0x46: {  	_ =	shalt  }
0x47: {  	_ =	shalt  }
0x48: {  	_ =	shalt  }
0x49: {  	_ =	shalt  }
0x4a: {  	_ =	shalt  }
0x4b: {  	_ =	shalt  }
0x4c: {  	_ =	shalt  }
0x4d: {  	_ =	shalt  }
0x4e: {  	_ =	shalt  }
0x4f: {  	_ =	shalt  }
0x50: {  	_ =	shalt  }
0x51: {  	_ =	shalt  }
0x52: {  	_ =	shalt  }
0x53: {  	_ =	shalt  }
0x54: {  	_ =	shalt  }
0x55: {  	_ =	shalt  }
0x56: {  	_ =	shalt  }
0x57: {  	_ =	shalt  }
0x58: {  	_ =	shalt  }
0x59: {  	_ =	shalt  }
0x5a: {  	_ =	shalt  }
0x5b: {  	_ =	shalt  }
0x5c: {  	_ =	shalt  }
0x5d: {  	_ =	shalt  }
0x5e: {  	_ =	shalt  }
0x5f: {  	_ =	shalt  }
0x60: {  	_ =	shalt  }
0x61: {  	_ =	shalt  }
0x62: {  	_ =	shalt  }
0x63: {  	_ =	shalt  }
0x64: {  	_ =	shalt  }
0x65: {  	_ =	shalt  }
0x66: {  	_ =	shalt  }
0x67: {  	_ =	shalt  }
0x68: {  	_ =	shalt  }
0x69: {  	_ =	shalt  }
0x6a: {  	_ =	shalt  }
0x6b: {  	_ =	shalt  }
0x6c: {  	_ =	shalt  }
0x6d: {  	_ =	shalt  }
0x6e: {  	_ =	shalt  }
0x6f: {  	_ =	shalt  }
0x70: {  	_ =	shalt  }
0x71: {  	_ =	shalt  }
0x72: {  	_ =	shalt  }
0x73: {  	_ =	shalt  }
0x74: {  	_ =	shalt  }
0x75: {  	_ =	shalt  }
0x76: {  	_ =	shalt  }
0x77: {  	_ =	shalt  }
0x78: {  	_ =	shalt  }
0x79: {  	_ =	shalt  }
0x7a: {  	_ =	shalt  }
0x7b: {  	_ =	shalt  }
0x7c: {  	_ =	shalt  }
0x7d: {  	_ =	shalt  }
0x7e: {  	_ =	shalt  }
0x7f: {  	_ =	shalt  }
0x80: {  	_ =	shalt  }
0x81: {  	_ =	shalt  }
0x82: {  	_ =	shalt  }
0x83: {  	_ =	shalt  }
0x84: {  	_ =	shalt  }
0x85: {  	_ =	shalt  }
0x86: {  	_ =	shalt  }
0x87: {  	_ =	shalt  }
.Lfunc_end0:
.L_simem_size_0:
called_computation.3_lowered:
.L_overlay_start_0:
0x88: {  	s2 =	sld [smem:$0x3FD9]  }
0x89: {  	s3 =	sld [smem:$0x3FFE];
	_ =	sdelay $0x1  }
0x8a: {  	s1 =	srdreg.scid  }
0x8b: {  	s0 =	sand.u32 $0x1, s1  }
0x8c: {  	s17 =	sshll.u32 s0, $0xA;
	s2 =	sadd.s32 s3, s2  }
0x8d: {  	s2 =	sadd.s32 s2, s17  }
0x8e: {  	[smem:$0x3FC6] =	sst s2  }
0x8f: {  	_ = 	snop  }
0x90: {  	s2 =	sld [smem:$0x3FD0];
	(tm) =	ssettm $0x1  }
0x91: {  	s18 =	sld [smem:$0x3FFB];
	_ =	sdelay $0x3  }
0x92: {  	_ =	strace s18  }
0x93: {  	s3 =	sld [smem:$0x3FFC];
	_ =	sdelay $0x3  }
0x94: {  	_ =	strace s3  }
0x95: {  	s3 =	sld [smem:$0x3FFD];
	_ =	sdelay $0x3  }
0x96: {  	_ =	strace s3  }
0x97: {  	_ =	strace $0x8FFFFFFF  }
0x98: {  	s19 =	sld [smem:$0x3FDB];
	_ =	sdelay $0x1  }
0x99: {  	s4 =	simm.s32 $_scs_section_size  }
0x9a: {  	s5 =	simm.s32 $_size__tile_overlayer_lowered;
	s6 =	simm.s32 $_tile_overlayer_lowered  }
0x9b: {  	s22 =	simm.s32 $0x1BFF;
	s21 =	sshll.u32 s6, $0x1;
	s3 =	sadd.s32 s4, s19  }
0x9c: {  	s7 =	simm.s32 $0x0;
	s20 =	sshll.u32 s5, $0x1;
	s5 =	sadd.s32 s21, s3  }
0x9d: {  	[timem:s7], [sflag:s22] =	dma.local [hbm:s5], s20  }
0x9e: {  	_ =	swait.ge [sflag:s22], s20  }
0x9f: {  	s4 =	ssub.s32 $0x0, s20;
	[sflag:s22] =	ssyncset.done $0x0  }
0xa0: {  	[sflag:s22] =	ssyncadd.s32 s4;
	_ =	sdelay $0x1  }
0xa1: {  	s23 =	simm.s32 $0x1B8B  }
0xa2: {  	_ =	swait.ge [sflag:s23], $0x1  }
0xa3: {  	[sflag:s23] =	ssyncset.done $0x0  }
0xa4: {  	s25 =	simm.s32 $0x1B8E;
	s24 =	sld [smem:$0x3FFE];
	[sflag:s23] =	ssyncadd.s32 $0xFFFFFFFF  }
0xa5: {  	s26 =	simm.s32 $execute0_lowered;
	[smem:$0x3FD2] =	sst s25  }
0xa6: {  	s5 =	sshll.u32 s26, $0x1;
	_ =	strace $0x8000004F;
	[dreg:$0x1] =	wrdreg $0xFFFFFFFF  }
0xa7: {  	s28 =	simm.s32 $_size_execute0_lowered;
	s3 =	sadd.s32 s3, s5;
	[dreg:$0x0] =	wrdreg $0x0  }
0xa8: {  	s5 =	sshll.u32 s28, $0x1;
	[dreg:$0x2] =	wrdreg s3  }
0xa9: {  	[dreg:$0x3] =	wrdreg s5  }
0xaa: {  	[dreg:$0x4] =	wrdreg $0xC0  }
0xab: {  	_ =	task [dreg:s7], $0x5FFFF  }
0xac: {  	[dreg:$0x1] =	wrdreg $0xFFFFFFFF  }
0xad: {  	[dreg:$0x0] =	wrdreg $0x60  }
0xae: {  	[dreg:$0x2] =	wrdreg s24  }
0xaf: {  	[dreg:$0x3] =	wrdreg s2  }
0xb0: {  	[dreg:$0x4] =	wrdreg $0x9  }
0xb1: {  	_ =	task.clear_ibuf [dreg:s7], $0x5FFFF;
	_ =	strace $0x9000004F  }
0xb2: {  	s29 =	simm.s32 $0x9;
	_ =	strace $0x80000051  }
0xb3: {  	_ =	swait.ge [sflag:s29], $0x1  }
0xb4: {  	[sflag:s29] =	ssyncadd.s32 $0xFFFFFFFF  }
0xb5: {  	_ =	strace $0x90000051  }
0xb6: {  	_ =	sfence  }
0xb7: {  	s30 =	sld [smem:$0x0];
	_ =	sdelay $0x2  }
0xb8: {  	s31 =	sshll.u32 s1, $0xD;
	s1 =	sshrl.u32 s1, $0x2  }
0xb9: {  	s3 =	sand.u32 $0x4000, s31;
	s1 =	sadd.s32 s1, s30  }
0xba: {  	s0 =	sor.u32 s3, s0;
	s1 =	sshll.u32 s1, $0x11  }
0xbb: {  	s0 =	sor.u32 s1, s0  }
0xbc: {  	s0 =	sadd.s32 $0x8F2B, s0  }
0xbd: {  	[sflag:s0] =	ssyncadd.remote.s32 $0x1  }
0xbe: {  	_ =	sfence.sel $0xFFFF  }
0xbf: {  	[dreg:$0x0] =	wrdreg $0xFFFFFFFF;
	(pc) =	sbr.abs _section_cstart, $3  }
0xc0: {  	[dreg:$0x1] =	wrdreg $0xFFFFFFFF  }
0xc1: {  	_ =	task.clear_ibuf [dreg:s7], $0x2FFFF;
	_ =	strace $0x9FFFFFFF  }
0xc2: {  	(tm) =	ssettm $0x7FFFFFFF  }
0xc3: {  	_ =	shalt  }
tec
execute0_lowered:
.L_overlay_start_1:
0x0: {  	(tag) =	ssettag $0x1  }
0x1: {  	s3 =	rddreg [dreg:$0x0]  }
0x2: {  	s12 =	rddreg [dreg:$0x1]  }
0x3: {  	s0 =	rddreg [dreg:$0x2]  }
0x4: {  	s2 =	simm.s32 $0x0;
	s1 =	stileid.u32;
	s6 =	srdreg.scid  }
0x5: {  	s16 =	simm.s32 $0x2000;
	s17 =	simm.s32 $0x2400;
	s18 =	simm.s32 $0x2800  }
0x6: {  	s19 =	simm.s32 $0x2C00;
	s20 =	simm.s32 $0x1;
	s21 =	simm.s32 $0x0  }
0x7: {  	[smem:$0x7FF] =	sst s2;
	s4 =	sshrl.u32 s1, $0x3;
	s6 =	sand.u32 $0x1, s6  }
0x8: {  	s7 =	sshll.u32 s1, $0x1;
	s8 =	sadd.s32 $0x5800, s3;
	s5 =	smul.u32 $0x300, s4  }
0x9: {  	_ =	strace $0x80000050;
	s7 =	sor.u32 s6, s7;
	s10 =	smul.u32 $0xC000, s4  }
0xa: {  	s6 =	ssub.s32 $0x2, s6;
	s4 =	sshll.u32 s4, $0x4;
	s9 =	sshll.u32 s7, $0x7  }
0xb: {  	s7 =	sshll.u32 s7, $0xA;
	s11 =	sshrl.u32 s6, $0x1;
	s30 =	sadd.s32 s4, s3  }
0xc: {  	s5 =	sadd.s32 s5, s3;
	s9 =	sadd.s32 s9, s3;
	s7 =	sand.u32 $0x3C00, s7  }
0xd: {  	s13 =	ssub.s32 s6, s11;
	s7 =	sor.u32 s10, s7;
	s3 =	sadd.s32 $0x3000, s5  }
0xe: {  	s13 =	smax.u32 s13, $0x1;
	s31 =	sshrl.u32 s7, $0x3;
	s7 =	sadd.s32 $0x3600, s9  }
0xf: {  	s14 =	sadd.s32 $0x800, s31;
	s15 =	sadd.s32 $0x1000, s31;
	s4 =	sadd.s32 s8, s31  }
0x10: {  	s10 =	sadd.s32 s12, s31;
	s5 =	sadd.s32 s8, s14;
	s6 =	sadd.s32 s8, s15  }
0x11: {  	s8 =	sadd.s32 $0x4600, s9;
	s9 =	sadd.s32 $0x5600, s30;
	s11 =	sadd.s32 s12, s14  }
0x12: {  	s12 =	sadd.s32 s12, s15;
	s14 =	simm.s32 $0x1800;
	s15 =	simm.s32 $0x1C00  }
.LBB2_1:
0x13: {  	[tilespmem:s2], [sflag:$0x1] =	stream.linear.gather [hbm4b:s3+s2], $0x1800, $0x38;
	[tilespmem:$0x2C80] =	vst v63  }
0x14: {  	_ = 	snop  }
0x15: {  	[tilespmem:s14], [sflag:$0x1] =	stream.linear.gather [hbm4b:s4+s2], $0x400, $0x38;
	[tilespmem:$0x2C80] =	vst v63  }
0x16: {  	_ = 	snop  }
0x17: {  	[tilespmem:s15], [sflag:$0x1] =	stream.linear.gather [hbm4b:s5+s2], $0x400, $0x38;
	[tilespmem:$0x2C80] =	vst v63  }
0x18: {  	_ = 	snop  }
0x19: {  	[tilespmem:s16], [sflag:$0x1] =	stream.linear.gather [hbm4b:s6+s2], $0x400, $0x38;
	[tilespmem:$0x2C80] =	vst v63  }
0x1a: {  	_ = 	snop  }
0x1b: {  	[tilespmem:s17], [sflag:$0x1] =	stream.linear.gather [hbm4b:s7+s2], $0x400, $0x38;
	[tilespmem:$0x2C80] =	vst v63  }
0x1c: {  	_ = 	snop  }
0x1d: {  	[tilespmem:s18], [sflag:$0x1] =	stream.linear.gather [hbm4b:s8+s2], $0x400, $0x38;
	[tilespmem:$0x2C80] =	vst v63  }
0x1e: {  	_ = 	snop  }
0x1f: {  	[tilespmem:s19], [sflag:$0x1] =	stream.linear.gather [hbm4b:s9+s2], $0x10, $0x38;
	[tilespmem:$0x2C80] =	vst v63  }
0x20: {  	_ =	swait.ge [sflag:s20], $0x1800  }
0x21: {  	[sflag:s20] =	ssyncset.done $0x0  }
0x22: {  	[sflag:s20] =	ssyncadd.s32 $0xFFFFE800  }
0x23: {  	_ =	swait.ge [sflag:s20], $0x400  }
0x24: {  	[sflag:s20] =	ssyncset.done $0x0  }
0x25: {  	[sflag:s20] =	ssyncadd.s32 $0xFFFFFC00  }
0x26: {  	_ =	swait.ge [sflag:s20], $0x400  }
0x27: {  	[sflag:s20] =	ssyncset.done $0x0  }
0x28: {  	[sflag:s20] =	ssyncadd.s32 $0xFFFFFC00  }
0x29: {  	_ =	swait.ge [sflag:s20], $0x400  }
0x2a: {  	[sflag:s20] =	ssyncset.done $0x0  }
0x2b: {  	[sflag:s20] =	ssyncadd.s32 $0xFFFFFC00  }
0x2c: {  	_ =	swait.ge [sflag:s20], $0x400  }
0x2d: {  	[sflag:s20] =	ssyncset.done $0x0  }
0x2e: {  	[sflag:s20] =	ssyncadd.s32 $0xFFFFFC00  }
0x2f: {  	_ =	swait.ge [sflag:s20], $0x400  }
0x30: {  	[sflag:s20] =	ssyncset.done $0x0  }
0x31: {  	[sflag:s20] =	ssyncadd.s32 $0xFFFFFC00  }
0x32: {  	_ =	swait.ge [sflag:s20], $0x10  }
0x33: {  	[sflag:s20] =	ssyncset.done $0x0  }
0x34: {  	[sflag:s20] =	ssyncadd.s32 $0xFFFFFFF0  }
0x35: {  	v0 =	vld [tilespmem:$0x2C00];
	_ =	sdelay $0x3  }
0x36: {  	s22 =	simm.s32 $0x0  }
0x37: {  	v1 =	vld [tilespmem:s22+$0x2400];
	v0 =	vadd.f32 $9.999999970e-07, v0;
	_ =	sdelay $0x1  }
0x38: {  	(erf) = vrcp.f32 v0;
	_ =	sdelay $0x2  }
0x39: {  	v0 =	vmul.u32 $0x3, v1;
	_ =	sdelay $0x1  }
0x3a: {  	v2 =	vld [tilespmem:s22+$0x2800];
	v1 =	vadd.s32 $0x1, v0  }
0x3b: {  	v4 =	vld [tilespmem:s22+$0x1800];
	v3 =	vadd.s32 $0x2, v0  }
0x3c: {  	v5 =	vld [tilespmem:s22+$0x1C00]  }
0x3d: {  	v7 =	vld [tilespmem:s22+$0x2000]  }
0x3e: {  	v6 =	vld.idx.msk [tilespmem:v0+s2+$0x0], $0xffff;
	v0 =	vpop (erf)  }
0x3f: {  	v1 =	vld.idx.msk [tilespmem:v1+s2+$0x0], $0xffff;
	v2 =	vmul.f32 v2, v0  }
0x40: {  	s23 =	simm.s32 $0x10;
	v3 =	vld.idx.msk [tilespmem:v3+s2+$0x0], $0xffff  }
0x41: {  	v8 =	vld [tilespmem:s23+$0x2400];
	v2 =	vsub.f32 $2.000000000e+00, v2  }
0x42: {  	v9 =	vld [tilespmem:s23+$0x2800]  }
0x43: {  	v6 =	vsub.f32 v6, v4;
	v2 =	vmul.f32 $1.000000010e-01, v2  }
0x44: {  	v10 =	vsub.f32 v1, v5  }
0x45: {  	v3 =	vsub.f32 v3, v7;
	v6 =	vmul.f32 v2, v6  }
0x46: {  	v1 =	vmul.u32 $0x3, v8;
	v8 =	vmul.f32 v10, v2  }
0x47: {  	v9 =	vmul.f32 v9, v0;
	v63 =	vmul.f32 v3, v2;
	v6 =	vadd.f32 v6, v4  }
0x48: {  	v3 =	vadd.s32 $0x1, v1;
	v5 =	vadd.f32 v8, v5  }
0x49: {  	s24 =	simm.s32 $0x80;
	v2 =	vsub.f32 $2.000000000e+00, v9;
	v4 =	vadd.s32 $0x2, v1;
	[tilespmem:s22+$0x1800] =	vst v6;
	v6 =	vadd.f32 v63, v7  }
.LBB2_2:
0x4a: {  	p0 =	sne.s32 s24, $0xFC0;
	v7 =	vld [tilespmem:s23+$0x1800];
	[tilespmem:s22+$0x1C00] =	vst v5;
	s25 =	smov.u32 s24;
	s24 =	sadd.s32 $0x40, s24  }
0x4b: {  	v5 =	vld [tilespmem:s23+$0x1C00];
	[tilespmem:s22+$0x2000] =	vst v6;
	s22 =	smov.u32 s23  }
0x4c: {  	v1 =	vld.idx.msk [tilespmem:v1+s2+$0x0], $0xffff  }
0x4d: {  	v3 =	vld.idx.msk [tilespmem:v3+s2+$0x0], $0xffff  }
0x4e: {  	v4 =	vld.idx.msk [tilespmem:v4+s2+$0x0], $0xffff  }
0x4f: {  	s23 =	sshra.s32 s25, $0x2;
	v6 =	vld [tilespmem:s22+$0x2000]  }
0x50: {  	v8 =	vld [tilespmem:s23+$0x2400]  }
0x51: {  	v9 =	vld [tilespmem:s23+$0x2800]  }
0x52: {  	v2 =	vmul.f32 $1.000000010e-01, v2;
	v1 =	vsub.f32 v1, v7  }
0x53: {  	v3 =	vsub.f32 v3, v5  }
.Ltmp0:
0x54: {  	v10 =	vmul.f32 v2, v1;
	v4 =	vsub.f32 v4, v6;
	(pc) =	sbr.rel @p0 .LBB2_2-.Ltmp0, $4  }
0x55: {  	v1 =	vmul.u32 $0x3, v8;
	v8 =	vmul.f32 v3, v2  }
0x56: {  	v7 =	vadd.f32 v10, v7;
	v9 =	vmul.f32 v9, v0;
	v10 =	vmul.f32 v4, v2  }
0x57: {  	v3 =	vadd.s32 $0x1, v1;
	v4 =	vadd.s32 $0x2, v1;
	v5 =	vadd.f32 v8, v5  }
0x58: {  	v2 =	vsub.f32 $2.000000000e+00, v9;
	[tilespmem:s22+$0x1800] =	vst v7;
	v6 =	vadd.f32 v10, v6  }
0x59: {  	_ =	sdelay $0x1  }
0x5a: {  	v0 =	vld [tilespmem:s23+$0x1800];
	[tilespmem:s22+$0x1C00] =	vst v5  }
0x5b: {  	v5 =	vld [tilespmem:s23+$0x1C00];
	[tilespmem:s22+$0x2000] =	vst v6  }
0x5c: {  	v1 =	vld.idx.msk [tilespmem:v1+s2+$0x0], $0xffff  }
0x5d: {  	v3 =	vld.idx.msk [tilespmem:v3+s2+$0x0], $0xffff  }
0x5e: {  	v4 =	vld.idx.msk [tilespmem:v4+s2+$0x0], $0xffff  }
0x5f: {  	v6 =	vld [tilespmem:s23+$0x2000];
	_ =	sdelay $0x2  }
0x60: {  	v2 =	vmul.f32 $1.000000010e-01, v2;
	v1 =	vsub.f32 v1, v0  }
0x61: {  	v3 =	vsub.f32 v3, v5  }
0x62: {  	v4 =	vsub.f32 v4, v6;
	v1 =	vmul.f32 v2, v1  }
0x63: {  	v3 =	vmul.f32 v3, v2  }
0x64: {  	v61 =	vmul.f32 v4, v2;
	v0 =	vadd.f32 v1, v0  }
0x65: {  	v62 =	vadd.f32 v3, v5  }
0x66: {  	v63 =	vadd.f32 v61, v6;
	[tilespmem:s23+$0x1800] =	vst v0  }
0x67: {  	[tilespmem:s23+$0x1C00] =	vst v62  }
0x68: {  	[tilespmem:s23+$0x2000] =	vst v63  }
0x69: {  	[hbm4b:s10+s2] =	stream.linear.scatter [tilespmem:s14], [sflag:$0x1], $0x400, $0x38;
	[tilespmem:$0x2C80] =	vst v63  }
0x6a: {  	_ = 	snop  }
0x6b: {  	[hbm4b:s11+s2] =	stream.linear.scatter [tilespmem:s15], [sflag:$0x1], $0x400, $0x38;
	[tilespmem:$0x2C80] =	vst v63  }
0x6c: {  	_ = 	snop  }
0x6d: {  	[hbm4b:s12+s2] =	stream.linear.scatter [tilespmem:s16], [sflag:$0x1], $0x400, $0x38;
	[tilespmem:$0x2C80] =	vst v63  }
0x6e: {  	_ =	swait.ge [sflag:s20], $0x400  }
0x6f: {  	[sflag:s20] =	ssyncset.done $0x0  }
0x70: {  	s21 =	sadd.s32 $0x1, s21;
	[sflag:s20] =	ssyncadd.s32 $0xFFFFFC00  }
0x71: {  	p0 =	sne.s32 s21, s13;
	_ =	swait.ge [sflag:s20], $0x400  }
.Ltmp1:
0x72: {  	[sflag:s20] =	ssyncset.done $0x0;
	(pc) =	sbr.rel @p0 .LBB2_1-.Ltmp1, $4  }
0x73: {  	[sflag:s20] =	ssyncadd.s32 $0xFFFFFC00  }
0x74: {  	_ =	swait.ge [sflag:s20], $0x400  }
0x75: {  	[sflag:s20] =	ssyncset.done $0x0  }
0x76: {  	[sflag:s20] =	ssyncadd.s32 $0xFFFFFC00  }
0x77: {  	_ =	sfence.sel $0x180000  }
0x78: {  	[bflag:$0x0] =	sbarrier.arrive $0xFFFF  }
0x79: {  	p0 =	sne.s32 s1, $0x0;
	_ =	strace $0x90000050  }
0x7a: {  	s0 =	sadd.s32 @!p0 $0x100000, s0;
	[bflag:$0x2] =	sbarrier.arrive $0xFFFF  }
0x7b: {  	[sflag:s0] =	ssyncadd.tile.s32 @!p0 $0x1;
	_ =	shalt  }
.Lfunc_end2:
_tile_overlayer_lowered:
.L_overlay_start_2:
0x7c: {  	(tag) =	ssettag $0x2  }
0x7d: {  	s0 =	rddreg [dreg:$0x0];
	s2 =	stileid.u32  }
0x7e: {  	s1 =	rddreg [dreg:$0x1];
	p0 =	sne.s32 s2, $0x0  }
0x7f: {  	s3 =	rddreg [dreg:$0x2];
	[bflag:$0x3] =	sbarrier.arrive $0xFFFF;
	s2 =	simm.s32 @!p0 $0x1C02  }
0x80: {  	[timem:s3], [sflag:s2] =	dma.local @!p0 [hbm:s0], s1  }
0x81: {  	s0 =	simm.s32 @!p0 $0x2  }
0x82: {  	_ =	swait.ge @!p0 [sflag:s0], s1  }
0x83: {  	s1 =	ssub.s32 @!p0 $0x0, s1;
	[sflag:s0] =	ssyncset.done @!p0 $0x0  }
0x84: {  	[sflag:s0] =	ssyncadd.s32 @!p0 s1  }
0x85: {  	[bflag:$0x3] =	sbarrier.arrive $0xFFFF  }
0x86: {  	_ =	shalt  }

</sc_bundles>
